<compile_context>
chip_gen: v7x
topology: tpu7x:2x2x1
jax: 0.10.2.dev20260603
libtpu: 0.0.44.dev20260713+nightly
codegen_flags: <defaults>
</compile_context>

<pallas_src>
import functools

import jax
import jax.numpy as jnp
from jax import lax
from jax.experimental import pallas as pl
from jax.experimental.pallas import tpu as pltpu
from jax.experimental.pallas import tpu_sc as plsc

_B, _D, _P, _E, _C = 2048, 2048, 16, 8, 128
_K = _D // _P
_C2 = 2 * _C
_BB = 256
_NBLK = _B // _BB
_T = 256
_TSH = 8
_NSLOT = 3840
_NT = _NSLOT // _T
_NW = 32
_TPW = _B // _NW



def _router_body(xp_ref, rwt_ref, sel0_ref, posin_ref, idx_ref, gate_ref,
                 stats_ref, loss_ref, cnt_ref):
    i = pl.program_id(0)

    @pl.when(i == 0)
    def _():
        stats_ref[...] = jnp.zeros_like(stats_ref)

    xsum = xp_ref[...].sum(axis=1)
    sel = jnp.dot(xsum, rwt_ref[...],
                  preferred_element_type=jnp.float32)
    gate = jnp.max(sel, axis=1, keepdims=True)
    eiota = lax.broadcasted_iota(jnp.int32, (_BB, _E), 1)
    idx = jnp.min(jnp.where(sel == gate, eiota, _E), axis=1,
                  keepdims=True)
    onehot = (eiota == idx).astype(jnp.float32)
    sel0_ref[...] = jnp.where(gate != 0.0, onehot, 0.0)
    gate_ref[...] = gate.reshape(_BB // 16, 16)
    idx_ref[...] = idx.reshape(_BB // 16, 16)

    r_io = lax.broadcasted_iota(jnp.int32, (_BB, _BB), 0)
    c_io = lax.broadcasted_iota(jnp.int32, (_BB, _BB), 1)
    ltri = (c_io < r_io).astype(jnp.float32)
    prefix = jnp.dot(ltri, onehot,
                     preferred_element_type=jnp.float32)
    running = stats_ref[0:1, _E:]
    posin = jnp.sum(onehot * (prefix + running), axis=1,
                    keepdims=True)
    posin_ref[...] = posin.astype(jnp.int32).reshape(_BB // 16, 16)

    part = jnp.concatenate([jnp.sum(sel, axis=0, keepdims=True),
                            jnp.sum(onehot, axis=0, keepdims=True)],
                           axis=1)
    stats_ref[...] += part

    @pl.when(i == _NBLK - 1)
    def _():
        st = stats_ref[...]
        prod = st[:, :_E] * st[:, _E:]
        loss_ref[...] = (jnp.sum(prod, axis=1, keepdims=True)
                         * (float(_E) / float(_B * _B)))
        cnt_ref[...] = jnp.concatenate(
            [st[:, _E:], jnp.zeros((1, _E), jnp.float32)],
            axis=1).astype(jnp.int32)


def _router_call(xp, rwt):
    return pl.pallas_call(
        _router_body,
        grid=(_NBLK,),
        in_specs=[
            pl.BlockSpec((_BB, _P, _K), lambda i: (i, 0, 0)),
            pl.BlockSpec((_K, _E), lambda i: (0, 0)),
        ],
        out_specs=[
            pl.BlockSpec((_BB, _E), lambda i: (i, 0)),
            pl.BlockSpec((_BB // 16, 16), lambda i: (i, 0)),
            pl.BlockSpec((_BB // 16, 16), lambda i: (i, 0)),
            pl.BlockSpec((_BB // 16, 16), lambda i: (i, 0)),
            pl.BlockSpec((1, 2 * _E), lambda i: (0, 0)),
            pl.BlockSpec((1, 1), lambda i: (0, 0)),
            pl.BlockSpec((1, 16), lambda i: (0, 0)),
        ],
        out_shape=[
            jax.ShapeDtypeStruct((_B, _E), jnp.float32),
            jax.ShapeDtypeStruct((_B // 16, 16), jnp.int32),
            jax.ShapeDtypeStruct((_B // 16, 16), jnp.int32),
            jax.ShapeDtypeStruct((_B // 16, 16), jnp.float32),
            jax.ShapeDtypeStruct((1, 2 * _E), jnp.float32),
            jax.ShapeDtypeStruct((1, 1), jnp.float32),
            jax.ShapeDtypeStruct((1, 16), jnp.int32),
        ],
        compiler_params=pltpu.CompilerParams(
            dimension_semantics=("arbitrary",),
        ),
    )(xp, rwt)



def _make_dispatch():
    info = plsc.get_sparse_core_info()
    nc = info.num_cores
    mesh = plsc.VectorSubcoreMesh(core_axis_name="c", subcore_axis_name="s")
    nchunk = _TPW // 16

    @functools.partial(
        pl.kernel, mesh=mesh,
        out_type=[
            jax.ShapeDtypeStruct((_B // 16, 16), jnp.int32),
            jax.ShapeDtypeStruct((_NSLOT, _P, _K), jnp.float32),
            jax.ShapeDtypeStruct((32,), jnp.int32),
        ],
        scratch_types=[
            pltpu.VMEM((1, 16), jnp.int32),
            pltpu.VMEM((nchunk, 16), jnp.int32),
            pltpu.VMEM((nchunk, 16), jnp.int32),
            pltpu.VMEM((nchunk, 16), jnp.int32),
            pltpu.VMEM((2, 16), jnp.int32),
            pltpu.VMEM((16, _P, _K), jnp.float32),
            pltpu.VMEM((16, _P, _K), jnp.float32),
            pltpu.SemaphoreType.DMA,
            pltpu.SemaphoreType.DMA,
            pltpu.SemaphoreType.DMA,
            pltpu.SemaphoreType.DMA,
        ],
    )
    def dispatch(cnt_hbm, idx_hbm, posin_hbm, xb_hbm,
                 pos_hbm, xs_hbm, te_hbm,
                 cnt_v, idx_v, posin_v, slot_v, te_v,
                 x_v0, x_v1,
                 sem0, sem1, sem2, sem3):
        wid = lax.axis_index("s") * nc + lax.axis_index("c")

        pltpu.sync_copy(cnt_hbm, cnt_v)
        cnt = cnt_v[0, :]
        padded = ((cnt + (_T - 1)) >> _TSH) << _TSH
        seg_sc = []
        s = jnp.int32(0)
        for e in range(_E):
            seg_sc.append(s)
            s = s + padded[e]

        pltpu.sync_copy(idx_hbm.at[pl.ds(wid * nchunk, nchunk)], idx_v)
        pltpu.sync_copy(posin_hbm.at[pl.ds(wid * nchunk, nchunk)], posin_v)
        for ci in range(nchunk):
            iv = idx_v[ci, :]
            base = jnp.zeros((16,), jnp.int32)
            for e in range(_E):
                base = base + jnp.where(
                    iv == e, jnp.full((16,), seg_sc[e], jnp.int32), 0)
            slot_v[ci, :] = base + posin_v[ci, :]
        pltpu.sync_copy(slot_v, pos_hbm.at[pl.ds(wid * nchunk, nchunk)])

        bufs = (x_v0, x_v1)
        fill_sems = (sem0, sem1)
        scat_sems = (sem2, sem3)
        fills = [None, None]
        scats = [None, None]

        def _start_fill(ci):
            return pltpu.async_copy(
                xb_hbm.at[pl.ds(wid * _TPW + ci * 16, 16)],
                bufs[ci % 2], fill_sems[ci % 2])

        fills[0] = _start_fill(0)
        for ci in range(nchunk):
            if ci + 1 < nchunk:
                if scats[(ci + 1) % 2] is not None:
                    scats[(ci + 1) % 2].wait()
                    scats[(ci + 1) % 2] = None
                fills[(ci + 1) % 2] = _start_fill(ci + 1)
            fills[ci % 2].wait()
            scats[ci % 2] = pltpu.async_copy(
                bufs[ci % 2], xs_hbm.at[slot_v.at[ci]], scat_sems[ci % 2])
        for cp in scats:
            if cp is not None:
                cp.wait()

        ones16 = jnp.full((16,), 1, jnp.int32)
        zeros16 = jnp.zeros((16,), jnp.int32)
        neg16 = jnp.full((16,), -1, jnp.int32)
        for g in range(2):
            tv = (lax.iota(jnp.int32, 16) + g * 16) * _T
            accv = zeros16
            for e in range(_E):
                end_e = seg_sc[e] + padded[e]
                accv = accv + jnp.where(
                    tv >= jnp.full((16,), end_e, jnp.int32), ones16, zeros16)
            valid = tv < jnp.full((16,), s, jnp.int32)
            te_v[g, :] = jnp.where(valid, accv, neg16)

        @pl.when(wid == 0)
        def _():
            pltpu.sync_copy(te_v.at[0], te_hbm.at[pl.ds(0, 16)])
            pltpu.sync_copy(te_v.at[1], te_hbm.at[pl.ds(16, 16)])

    return dispatch



def _expert_body(te_ref, xs_ref, w_ref, b_ref, s2_ref, c0_ref, c1_ref):
    i = pl.program_id(0)

    @pl.when(te_ref[i] >= 0)
    def _():
        xsb = xs_ref[...].astype(jnp.bfloat16)
        z = jnp.dot(xsb, w_ref[0],
                    preferred_element_type=jnp.float32)
        h = z + b_ref[0]
        h3 = h * h * h
        ck = jnp.dot(h3, s2_ref[...],
                     preferred_element_type=jnp.float32)
        ckr = ck.reshape(_T, _P, 2).sum(axis=1)
        c0_ref[...] = ckr[:, 0:1]
        c1_ref[...] = ckr[:, 1:2]


def _expert_call(te, xs2d, wallb, biasb, s2):
    grid_spec = pltpu.PrefetchScalarGridSpec(
        num_scalar_prefetch=1,
        grid=(_NT,),
        in_specs=[
            pl.BlockSpec((_T * _P, _K),
                         lambda i, te: (jnp.where(te[i] >= 0, i, 0), 0)),
            pl.BlockSpec((1, _K, _C2),
                         lambda i, te: (jnp.maximum(te[i], 0), 0, 0)),
            pl.BlockSpec((1, 1, _C2),
                         lambda i, te: (jnp.maximum(te[i], 0), 0, 0)),
            pl.BlockSpec((_C2, 2), lambda i, te: (0, 0)),
        ],
        out_specs=[
            pl.BlockSpec((_T, 1), lambda i, te: (i, 0)),
            pl.BlockSpec((_T, 1), lambda i, te: (i, 0)),
        ],
    )
    return pl.pallas_call(
        _expert_body,
        grid_spec=grid_spec,
        out_shape=[
            jax.ShapeDtypeStruct((_NSLOT, 1), jnp.float32),
            jax.ShapeDtypeStruct((_NSLOT, 1), jnp.float32),
        ],
        compiler_params=pltpu.CompilerParams(
            dimension_semantics=("arbitrary",),
        ),
    )(te, xs2d, wallb, biasb, s2)



def _make_combine():
    info = plsc.get_sparse_core_info()
    nc = info.num_cores
    mesh = plsc.VectorSubcoreMesh(core_axis_name="c", subcore_axis_name="s")
    nchunk = _TPW // 16

    @functools.partial(
        pl.kernel, mesh=mesh,
        out_type=[
            jax.ShapeDtypeStruct((_B // 16, 16), jnp.float32),
            jax.ShapeDtypeStruct((_B // 16, 16), jnp.float32),
        ],
        scratch_types=[
            pltpu.VMEM((4, 16), jnp.int32),
            pltpu.VMEM((4, 16), jnp.float32),
            pltpu.VMEM((4, 16), jnp.float32),
            pltpu.VMEM((4, 16), jnp.float32),
            pltpu.VMEM((4, 16), jnp.float32),
            pltpu.VMEM((4, 16), jnp.float32),
            pltpu.SemaphoreType.DMA,
            pltpu.SemaphoreType.DMA,
        ],
    )
    def combine(pos_hbm, c0_hbm, c1_hbm, gate_hbm,
                o0_hbm, o1_hbm,
                pos_v, gate_v, v0, v1, ob0, ob1, sem0, sem1):
        wid = lax.axis_index("s") * nc + lax.axis_index("c")
        pltpu.sync_copy(pos_hbm.at[pl.ds(wid * nchunk, nchunk)], pos_v)
        pltpu.sync_copy(gate_hbm.at[pl.ds(wid * nchunk, nchunk)], gate_v)
        cps = []
        for ci in range(nchunk):
            cps.append(pltpu.async_copy(
                c0_hbm.at[pos_v.at[ci]], v0.at[ci], sem0))
            cps.append(pltpu.async_copy(
                c1_hbm.at[pos_v.at[ci]], v1.at[ci], sem1))
        for cp in cps:
            cp.wait()
        for ci in range(nchunk):
            g = gate_v[ci, :]
            a0 = g * v0[ci, :]
            a1 = g * v1[ci, :]
            m = jnp.maximum(a0, a1)
            e0 = jnp.exp(a0 - m)
            e1 = jnp.exp(a1 - m)
            s = e0 + e1
            ob0[ci, :] = e0 / s
            ob1[ci, :] = e1 / s
        pltpu.sync_copy(ob0, o0_hbm.at[pl.ds(wid * nchunk, nchunk)])
        pltpu.sync_copy(ob1, o1_hbm.at[pl.ds(wid * nchunk, nchunk)])

    return combine



def kernel(x, router_w, expert_w, expert_b):
    xb3 = x.reshape(_B, _P, _K)
    rwt = router_w.T
    (sel0, posin2d, idx2d, gate2d, stats, loss,
     cnt16) = _router_call(xb3, rwt)

    dispatch = _make_dispatch()
    pos2d, xs3, te = dispatch(cnt16, idx2d, posin2d, xb3)
    xs2d = xs3.reshape(_NSLOT * _P, _K)

    wallb = jnp.transpose(expert_w, (0, 2, 1)).astype(jnp.bfloat16)
    biasb = expert_b.reshape(_E, 1, _C2)
    s2 = (jnp.arange(_C2)[:, None] // _C
          == jnp.arange(2)[None, :]).astype(jnp.float32)
    c0, c1 = _expert_call(te, xs2d, wallb, biasb, s2)

    combine = _make_combine()
    o0, o1 = combine(pos2d, c0.reshape(_NSLOT), c1.reshape(_NSLOT),
                     gate2d)
    out = jnp.stack([o0.reshape(_B), o1.reshape(_B)], axis=1)
    return out, sel0, loss[0, 0]

# --- scband reference (transcript-rebuilt; emitter-appended) ---
"""Pipeline reference for scband-mo-e-3023656976530 (READ-ONLY COPY).

The authoritative reference and input builder live on the scoring server;
editing this copy changes nothing except your own understanding.
"""

import jax, jax.numpy as jnp
import numpy as np

B, D, P, E, C = 2048, 2048, 16, 8, 128
K = D // P

def setup_inputs(seed: int = 0) -> dict:
    key = jax.random.key(seed)
    ks = jax.random.split(key, 4)
    x = jax.random.normal(ks[0], (B, 1, D), dtype=jnp.float32)
    # Router conv weight: Conv1d(1, E, K, stride=K, bias=False) -> [E, 1, K] flattened to [E, K].
    # (Original zeros it in reset_parameters; we use small random values so routing is nontrivial.)
    router_w = jax.random.normal(ks[1], (E, K), dtype=jnp.float32) * 0.01
    # Expert conv weights: Conv1d(1, 2C, K, stride=K) per expert, scaled by 0.001 (small=True).
    expert_w = jax.random.normal(ks[2], (E, 2 * C, K), dtype=jnp.float32) * 0.001
    expert_b = jax.random.normal(ks[3], (E, 2 * C), dtype=jnp.float32) * 0.001
    return {"x": x, "router_w": router_w, "expert_w": expert_w, "expert_b": expert_b}


def reference(x, router_w, expert_w, expert_b):
    Bn = x.shape[0]
    En = router_w.shape[0]
    Kn = router_w.shape[1]
    Dn = x.shape[2]
    Pn = Dn // Kn
    C2 = expert_w.shape[1]
    Cn = C2 // 2
    # Router (eval mode: no noise): Conv1d stride==kernel -> patchify + matmul, then sum over positions.
    patches = x.reshape(Bn, Pn, Kn)
    select = jnp.einsum('bpk,ek->be', patches, router_w)  # [B, E]
    # top1 routing
    gate_v, idx = jax.lax.top_k(select, 1)
    gate = gate_v[:, 0]
    idx = idx[:, 0]
    mask = jax.nn.one_hot(idx, En, dtype=jnp.float32)  # [B, E]
    density = mask.mean(axis=0)
    density_proxy = select.mean(axis=0)
    loss = (density_proxy * density).mean() * float(En ** 2)
    mask_flat = mask.sum(axis=-1)  # [B]
    combine = gate[:, None, None] * mask_flat[:, None, None] * jax.nn.one_hot(idx, En, dtype=jnp.float32)[:, :, None]  # [B, E, 1]
    dispatch = (combine != 0).astype(combine.dtype)  # torch: combine.bool().to(dtype)
    select0 = dispatch[..., 0]  # [B, E]
    # dispatch tokens to experts: einsum('bnd,ben->ebd') with n == 1
    expert_inputs = jnp.einsum('bnd,ben->ebd', x, dispatch)  # [E, B, D]
    # Each expert: Conv1d(1, 2C, K, stride=K) -> cube -> sum over positions (vectorized over experts)
    ep = expert_inputs.reshape(En, Bn, Pn, Kn)
    h = jnp.einsum('ebpk,eok->ebop', ep, expert_w) + expert_b[:, None, :, None]  # [E, B, 2C, P]
    h = h ** 3
    h = h.sum(axis=3)  # [E, B, 2C]
    out_e = jnp.stack([h[:, :, :Cn].sum(axis=2), h[:, :, Cn:].sum(axis=2)], axis=2)  # [E, B, 2]
    output = jnp.einsum('bek,ebl->bl', combine, out_e)  # [B, 2]
    output = jax.nn.softmax(output, axis=1)
    return (output, select0, loss)

if __name__ == "__main__":
    import jax
    _d = setup_inputs()
    print(jax.jit(kernel)(*tuple(_d.values())))

</pallas_src>

<mosaic_0001>
#map = affine_map<(d0, d1) -> (0, 0)>
#map1 = affine_map<(d0, d1) -> (0)>
module attributes {stable_mosaic.version = 14 : i64} {
  func.func @combine(%arg0: i32, %arg1: i32, %arg2: memref<128x16xi32, #tpu.memory_space<hbm>>, %arg3: memref<3840xf32, #tpu.memory_space<hbm>>, %arg4: memref<3840xf32, #tpu.memory_space<hbm>>, %arg5: memref<128x16xf32, #tpu.memory_space<hbm>>, %arg6: memref<128x16xf32, #tpu.memory_space<hbm>>, %arg7: memref<128x16xf32, #tpu.memory_space<hbm>>, %arg8: memref<4x16xi32, #tpu.memory_space<vmem>>, %arg9: memref<4x16xf32, #tpu.memory_space<vmem>>, %arg10: memref<4x16xf32, #tpu.memory_space<vmem>>, %arg11: memref<4x16xf32, #tpu.memory_space<vmem>>, %arg12: memref<4x16xf32, #tpu.memory_space<vmem>>, %arg13: memref<4x16xf32, #tpu.memory_space<vmem>>, %arg14: memref<!tpu.dma_semaphore, #tpu.memory_space<semaphore_mem>>, %arg15: memref<!tpu.dma_semaphore, #tpu.memory_space<semaphore_mem>>) attributes {dimension_semantics = [#tpu.dimension_semantics<core_parallel>, #tpu.dimension_semantics<subcore_parallel>], iteration_bounds = array<i64: 2, 16>, scalar_prefetch = 0 : i64, scratch_operands = 8 : i64, tpu.core_type = #tpu.core_type<sc_vector_subcore>, window_params = [{transform_indices = #map}, {transform_indices = #map1}, {transform_indices = #map1}, {transform_indices = #map}, {transform_indices = #map}, {transform_indices = #map}]} {
    %mul3A = arith.constant 2 : i32
    %mul3A_0 = arith.muli %arg1, %mul3A : i32
    %add3A = arith.addi %mul3A_0, %arg0 : i32
    %mul3A_1 = arith.constant 4 : i32
    %mul3A_2 = arith.muli %add3A, %mul3A_1 : i32
    "tpu.region"() ({
      %run_scoped3A = tpu.sem_alloc : memref<!tpu.dma_semaphore, #tpu.memory_space<semaphore_mem>>
      %dma_start3A_309 = arith.constant 0 : i32
      %dma_start3A_310 = tpu.memref_slice %arg2[%mul3A_2, %dma_start3A_309] : memref<128x16xi32, #tpu.memory_space<hbm>> -> memref<4x16xi32, #tpu.memory_space<hbm>>
      %dma_start3A_311 = arith.constant 0 : i32
      %dma_start3A_312 = tpu.memref_slice %arg2[%mul3A_2, %dma_start3A_311] : memref<128x16xi32, #tpu.memory_space<hbm>> -> memref<4x16xi32, #tpu.memory_space<hbm>>
      tpu.enqueue_dma source(%dma_start3A_312 : memref<4x16xi32, #tpu.memory_space<hbm>>) target(%arg8 : memref<4x16xi32, #tpu.memory_space<vmem>>) target_semaphore(%run_scoped3A : memref<!tpu.dma_semaphore, #tpu.memory_space<semaphore_mem>>)
      %dma_wait3A_313 = arith.constant 0 : i32
      %dma_wait3A_314 = tpu.memref_slice %arg2[%mul3A_2, %dma_wait3A_313] : memref<128x16xi32, #tpu.memory_space<hbm>> -> memref<4x16xi32, #tpu.memory_space<hbm>>
      %dma_wait3A_315 = arith.constant 0 : i32
      %dma_wait3A_316 = tpu.memref_slice %arg2[%mul3A_2, %dma_wait3A_315] : memref<128x16xi32, #tpu.memory_space<hbm>> -> memref<4x16xi32, #tpu.memory_space<hbm>>
      tpu.wait_dma2 semaphore(%run_scoped3A : memref<!tpu.dma_semaphore, #tpu.memory_space<semaphore_mem>>) src(%dma_wait3A_316 : memref<4x16xi32, #tpu.memory_space<hbm>>) dst(%arg8 : memref<4x16xi32, #tpu.memory_space<vmem>>)
      tpu.yield
    }) : () -> ()
    %mul3A_3 = arith.constant 4 : i32
    %mul3A_4 = arith.muli %add3A, %mul3A_3 : i32
    "tpu.region"() ({
      %run_scoped3A = tpu.sem_alloc : memref<!tpu.dma_semaphore, #tpu.memory_space<semaphore_mem>>
      %dma_start3A_309 = arith.constant 0 : i32
      %dma_start3A_310 = tpu.memref_slice %arg5[%mul3A_4, %dma_start3A_309] : memref<128x16xf32, #tpu.memory_space<hbm>> -> memref<4x16xf32, #tpu.memory_space<hbm>>
      %dma_start3A_311 = arith.constant 0 : i32
      %dma_start3A_312 = tpu.memref_slice %arg5[%mul3A_4, %dma_start3A_311] : memref<128x16xf32, #tpu.memory_space<hbm>> -> memref<4x16xf32, #tpu.memory_space<hbm>>
      tpu.enqueue_dma source(%dma_start3A_312 : memref<4x16xf32, #tpu.memory_space<hbm>>) target(%arg9 : memref<4x16xf32, #tpu.memory_space<vmem>>) target_semaphore(%run_scoped3A : memref<!tpu.dma_semaphore, #tpu.memory_space<semaphore_mem>>)
      %dma_wait3A_313 = arith.constant 0 : i32
      %dma_wait3A_314 = tpu.memref_slice %arg5[%mul3A_4, %dma_wait3A_313] : memref<128x16xf32, #tpu.memory_space<hbm>> -> memref<4x16xf32, #tpu.memory_space<hbm>>
      %dma_wait3A_315 = arith.constant 0 : i32
      %dma_wait3A_316 = tpu.memref_slice %arg5[%mul3A_4, %dma_wait3A_315] : memref<128x16xf32, #tpu.memory_space<hbm>> -> memref<4x16xf32, #tpu.memory_space<hbm>>
      tpu.wait_dma2 semaphore(%run_scoped3A : memref<!tpu.dma_semaphore, #tpu.memory_space<semaphore_mem>>) src(%dma_wait3A_316 : memref<4x16xf32, #tpu.memory_space<hbm>>) dst(%arg9 : memref<4x16xf32, #tpu.memory_space<vmem>>)
      tpu.yield
    }) : () -> ()
    %dma_start3A = arith.constant 0 : i32
    %dma_start3A_5 = arith.constant 0 : i32
    %dma_start3A_6 = arith.constant 0 : i32
    %dma_start3A_7 = tpu.memref_slice %arg10[%dma_start3A_5, %dma_start3A_6] : memref<4x16xf32, #tpu.memory_space<vmem>> -> memref<1x16xf32, #tpu.memory_space<vmem>>
    %dma_start3A_8 = tpu.memref_squeeze %dma_start3A_7 : memref<1x16xf32, #tpu.memory_space<vmem>> -> memref<16xf32, #tpu.memory_space<vmem>>
    %dma_start3A_9 = arith.constant 0 : i32
    %dma_start3A_10 = tpu.memref_slice %arg8[%dma_start3A, %dma_start3A_9] : memref<4x16xi32, #tpu.memory_space<vmem>> -> memref<1x16xi32, #tpu.memory_space<vmem>>
    %dma_start3A_11 = tpu.memref_squeeze %dma_start3A_10 : memref<1x16xi32, #tpu.memory_space<vmem>> -> memref<16xi32, #tpu.memory_space<vmem>>
    %dma_start3A_12 = arith.constant 0 : i32
    %dma_start3A_13 = tpu.memref_slice %arg3[%dma_start3A_12] : memref<3840xf32, #tpu.memory_space<hbm>> -> memref<3840xf32, #tpu.memory_space<hbm>>
    tpu.enqueue_indirect_dma source(%dma_start3A_13 : memref<3840xf32, #tpu.memory_space<hbm>>) target(%dma_start3A_8 : memref<16xf32, #tpu.memory_space<vmem>>) offsets(%dma_start3A_11 : memref<16xi32, #tpu.memory_space<vmem>>) semaphore(%arg14 : memref<!tpu.dma_semaphore, #tpu.memory_space<semaphore_mem>>)
    %dma_start3A_14 = arith.constant 0 : i32
    %dma_start3A_15 = arith.constant 0 : i32
    %dma_start3A_16 = arith.constant 0 : i32
    %dma_start3A_17 = tpu.memref_slice %arg11[%dma_start3A_15, %dma_start3A_16] : memref<4x16xf32, #tpu.memory_space<vmem>> -> memref<1x16xf32, #tpu.memory_space<vmem>>
    %dma_start3A_18 = tpu.memref_squeeze %dma_start3A_17 : memref<1x16xf32, #tpu.memory_space<vmem>> -> memref<16xf32, #tpu.memory_space<vmem>>
    %dma_start3A_19 = arith.constant 0 : i32
    %dma_start3A_20 = tpu.memref_slice %arg8[%dma_start3A_14, %dma_start3A_19] : memref<4x16xi32, #tpu.memory_space<vmem>> -> memref<1x16xi32, #tpu.memory_space<vmem>>
    %dma_start3A_21 = tpu.memref_squeeze %dma_start3A_20 : memref<1x16xi32, #tpu.memory_space<vmem>> -> memref<16xi32, #tpu.memory_space<vmem>>
    %dma_start3A_22 = arith.constant 0 : i32
    %dma_start3A_23 = tpu.memref_slice %arg4[%dma_start3A_22] : memref<3840xf32, #tpu.memory_space<hbm>> -> memref<3840xf32, #tpu.memory_space<hbm>>
    tpu.enqueue_indirect_dma source(%dma_start3A_23 : memref<3840xf32, #tpu.memory_space<hbm>>) target(%dma_start3A_18 : memref<16xf32, #tpu.memory_space<vmem>>) offsets(%dma_start3A_21 : memref<16xi32, #tpu.memory_space<vmem>>) semaphore(%arg15 : memref<!tpu.dma_semaphore, #tpu.memory_space<semaphore_mem>>)
    %dma_start3A_24 = arith.constant 1 : i32
    %dma_start3A_25 = arith.constant 1 : i32
    %dma_start3A_26 = arith.constant 0 : i32
    %dma_start3A_27 = tpu.memref_slice %arg10[%dma_start3A_25, %dma_start3A_26] : memref<4x16xf32, #tpu.memory_space<vmem>> -> memref<1x16xf32, #tpu.memory_space<vmem>>
    %dma_start3A_28 = tpu.memref_squeeze %dma_start3A_27 : memref<1x16xf32, #tpu.memory_space<vmem>> -> memref<16xf32, #tpu.memory_space<vmem>>
    %dma_start3A_29 = arith.constant 0 : i32
    %dma_start3A_30 = tpu.memref_slice %arg8[%dma_start3A_24, %dma_start3A_29] : memref<4x16xi32, #tpu.memory_space<vmem>> -> memref<1x16xi32, #tpu.memory_space<vmem>>
    %dma_start3A_31 = tpu.memref_squeeze %dma_start3A_30 : memref<1x16xi32, #tpu.memory_space<vmem>> -> memref<16xi32, #tpu.memory_space<vmem>>
    %dma_start3A_32 = arith.constant 0 : i32
    %dma_start3A_33 = tpu.memref_slice %arg3[%dma_start3A_32] : memref<3840xf32, #tpu.memory_space<hbm>> -> memref<3840xf32, #tpu.memory_space<hbm>>
    tpu.enqueue_indirect_dma source(%dma_start3A_33 : memref<3840xf32, #tpu.memory_space<hbm>>) target(%dma_start3A_28 : memref<16xf32, #tpu.memory_space<vmem>>) offsets(%dma_start3A_31 : memref<16xi32, #tpu.memory_space<vmem>>) semaphore(%arg14 : memref<!tpu.dma_semaphore, #tpu.memory_space<semaphore_mem>>)
    %dma_start3A_34 = arith.constant 1 : i32
    %dma_start3A_35 = arith.constant 1 : i32
    %dma_start3A_36 = arith.constant 0 : i32
    %dma_start3A_37 = tpu.memref_slice %arg11[%dma_start3A_35, %dma_start3A_36] : memref<4x16xf32, #tpu.memory_space<vmem>> -> memref<1x16xf32, #tpu.memory_space<vmem>>
    %dma_start3A_38 = tpu.memref_squeeze %dma_start3A_37 : memref<1x16xf32, #tpu.memory_space<vmem>> -> memref<16xf32, #tpu.memory_space<vmem>>
    %dma_start3A_39 = arith.constant 0 : i32
    %dma_start3A_40 = tpu.memref_slice %arg8[%dma_start3A_34, %dma_start3A_39] : memref<4x16xi32, #tpu.memory_space<vmem>> -> memref<1x16xi32, #tpu.memory_space<vmem>>
    %dma_start3A_41 = tpu.memref_squeeze %dma_start3A_40 : memref<1x16xi32, #tpu.memory_space<vmem>> -> memref<16xi32, #tpu.memory_space<vmem>>
    %dma_start3A_42 = arith.constant 0 : i32
    %dma_start3A_43 = tpu.memref_slice %arg4[%dma_start3A_42] : memref<3840xf32, #tpu.memory_space<hbm>> -> memref<3840xf32, #tpu.memory_space<hbm>>
    tpu.enqueue_indirect_dma source(%dma_start3A_43 : memref<3840xf32, #tpu.memory_space<hbm>>) target(%dma_start3A_38 : memref<16xf32, #tpu.memory_space<vmem>>) offsets(%dma_start3A_41 : memref<16xi32, #tpu.memory_space<vmem>>) semaphore(%arg15 : memref<!tpu.dma_semaphore, #tpu.memory_space<semaphore_mem>>)
    %dma_start3A_44 = arith.constant 2 : i32
    %dma_start3A_45 = arith.constant 2 : i32
    %dma_start3A_46 = arith.constant 0 : i32
    %dma_start3A_47 = tpu.memref_slice %arg10[%dma_start3A_45, %dma_start3A_46] : memref<4x16xf32, #tpu.memory_space<vmem>> -> memref<1x16xf32, #tpu.memory_space<vmem>>
    %dma_start3A_48 = tpu.memref_squeeze %dma_start3A_47 : memref<1x16xf32, #tpu.memory_space<vmem>> -> memref<16xf32, #tpu.memory_space<vmem>>
    %dma_start3A_49 = arith.constant 0 : i32
    %dma_start3A_50 = tpu.memref_slice %arg8[%dma_start3A_44, %dma_start3A_49] : memref<4x16xi32, #tpu.memory_space<vmem>> -> memref<1x16xi32, #tpu.memory_space<vmem>>
    %dma_start3A_51 = tpu.memref_squeeze %dma_start3A_50 : memref<1x16xi32, #tpu.memory_space<vmem>> -> memref<16xi32, #tpu.memory_space<vmem>>
    %dma_start3A_52 = arith.constant 0 : i32
    %dma_start3A_53 = tpu.memref_slice %arg3[%dma_start3A_52] : memref<3840xf32, #tpu.memory_space<hbm>> -> memref<3840xf32, #tpu.memory_space<hbm>>
    tpu.enqueue_indirect_dma source(%dma_start3A_53 : memref<3840xf32, #tpu.memory_space<hbm>>) target(%dma_start3A_48 : memref<16xf32, #tpu.memory_space<vmem>>) offsets(%dma_start3A_51 : memref<16xi32, #tpu.memory_space<vmem>>) semaphore(%arg14 : memref<!tpu.dma_semaphore, #tpu.memory_space<semaphore_mem>>)
    %dma_start3A_54 = arith.constant 2 : i32
    %dma_start3A_55 = arith.constant 2 : i32
    %dma_start3A_56 = arith.constant 0 : i32
    %dma_start3A_57 = tpu.memref_slice %arg11[%dma_start3A_55, %dma_start3A_56] : memref<4x16xf32, #tpu.memory_space<vmem>> -> memref<1x16xf32, #tpu.memory_space<vmem>>
    %dma_start3A_58 = tpu.memref_squeeze %dma_start3A_57 : memref<1x16xf32, #tpu.memory_space<vmem>> -> memref<16xf32, #tpu.memory_space<vmem>>
    %dma_start3A_59 = arith.constant 0 : i32
    %dma_start3A_60 = tpu.memref_slice %arg8[%dma_start3A_54, %dma_start3A_59] : memref<4x16xi32, #tpu.memory_space<vmem>> -> memref<1x16xi32, #tpu.memory_space<vmem>>
    %dma_start3A_61 = tpu.memref_squeeze %dma_start3A_60 : memref<1x16xi32, #tpu.memory_space<vmem>> -> memref<16xi32, #tpu.memory_space<vmem>>
    %dma_start3A_62 = arith.constant 0 : i32
    %dma_start3A_63 = tpu.memref_slice %arg4[%dma_start3A_62] : memref<3840xf32, #tpu.memory_space<hbm>> -> memref<3840xf32, #tpu.memory_space<hbm>>
    tpu.enqueue_indirect_dma source(%dma_start3A_63 : memref<3840xf32, #tpu.memory_space<hbm>>) target(%dma_start3A_58 : memref<16xf32, #tpu.memory_space<vmem>>) offsets(%dma_start3A_61 : memref<16xi32, #tpu.memory_space<vmem>>) semaphore(%arg15 : memref<!tpu.dma_semaphore, #tpu.memory_space<semaphore_mem>>)
    %dma_start3A_64 = arith.constant 3 : i32
    %dma_start3A_65 = arith.constant 3 : i32
    %dma_start3A_66 = arith.constant 0 : i32
    %dma_start3A_67 = tpu.memref_slice %arg10[%dma_start3A_65, %dma_start3A_66] : memref<4x16xf32, #tpu.memory_space<vmem>> -> memref<1x16xf32, #tpu.memory_space<vmem>>
    %dma_start3A_68 = tpu.memref_squeeze %dma_start3A_67 : memref<1x16xf32, #tpu.memory_space<vmem>> -> memref<16xf32, #tpu.memory_space<vmem>>
    %dma_start3A_69 = arith.constant 0 : i32
    %dma_start3A_70 = tpu.memref_slice %arg8[%dma_start3A_64, %dma_start3A_69] : memref<4x16xi32, #tpu.memory_space<vmem>> -> memref<1x16xi32, #tpu.memory_space<vmem>>
    %dma_start3A_71 = tpu.memref_squeeze %dma_start3A_70 : memref<1x16xi32, #tpu.memory_space<vmem>> -> memref<16xi32, #tpu.memory_space<vmem>>
    %dma_start3A_72 = arith.constant 0 : i32
    %dma_start3A_73 = tpu.memref_slice %arg3[%dma_start3A_72] : memref<3840xf32, #tpu.memory_space<hbm>> -> memref<3840xf32, #tpu.memory_space<hbm>>
    tpu.enqueue_indirect_dma source(%dma_start3A_73 : memref<3840xf32, #tpu.memory_space<hbm>>) target(%dma_start3A_68 : memref<16xf32, #tpu.memory_space<vmem>>) offsets(%dma_start3A_71 : memref<16xi32, #tpu.memory_space<vmem>>) semaphore(%arg14 : memref<!tpu.dma_semaphore, #tpu.memory_space<semaphore_mem>>)
    %dma_start3A_74 = arith.constant 3 : i32
    %dma_start3A_75 = arith.constant 3 : i32
    %dma_start3A_76 = arith.constant 0 : i32
    %dma_start3A_77 = tpu.memref_slice %arg11[%dma_start3A_75, %dma_start3A_76] : memref<4x16xf32, #tpu.memory_space<vmem>> -> memref<1x16xf32, #tpu.memory_space<vmem>>
    %dma_start3A_78 = tpu.memref_squeeze %dma_start3A_77 : memref<1x16xf32, #tpu.memory_space<vmem>> -> memref<16xf32, #tpu.memory_space<vmem>>
    %dma_start3A_79 = arith.constant 0 : i32
    %dma_start3A_80 = tpu.memref_slice %arg8[%dma_start3A_74, %dma_start3A_79] : memref<4x16xi32, #tpu.memory_space<vmem>> -> memref<1x16xi32, #tpu.memory_space<vmem>>
    %dma_start3A_81 = tpu.memref_squeeze %dma_start3A_80 : memref<1x16xi32, #tpu.memory_space<vmem>> -> memref<16xi32, #tpu.memory_space<vmem>>
    %dma_start3A_82 = arith.constant 0 : i32
    %dma_start3A_83 = tpu.memref_slice %arg4[%dma_start3A_82] : memref<3840xf32, #tpu.memory_space<hbm>> -> memref<3840xf32, #tpu.memory_space<hbm>>
    tpu.enqueue_indirect_dma source(%dma_start3A_83 : memref<3840xf32, #tpu.memory_space<hbm>>) target(%dma_start3A_78 : memref<16xf32, #tpu.memory_space<vmem>>) offsets(%dma_start3A_81 : memref<16xi32, #tpu.memory_space<vmem>>) semaphore(%arg15 : memref<!tpu.dma_semaphore, #tpu.memory_space<semaphore_mem>>)
    %dma_wait3A = arith.constant 0 : i32
    %dma_wait3A_84 = arith.constant 0 : i32
    %dma_wait3A_85 = arith.constant 0 : i32
    %dma_wait3A_86 = tpu.memref_slice %arg10[%dma_wait3A_84, %dma_wait3A_85] : memref<4x16xf32, #tpu.memory_space<vmem>> -> memref<1x16xf32, #tpu.memory_space<vmem>>
    %dma_wait3A_87 = tpu.memref_squeeze %dma_wait3A_86 : memref<1x16xf32, #tpu.memory_space<vmem>> -> memref<16xf32, #tpu.memory_space<vmem>>
    %dma_wait3A_88 = arith.constant 0 : i32
    %dma_wait3A_89 = tpu.memref_slice %arg8[%dma_wait3A, %dma_wait3A_88] : memref<4x16xi32, #tpu.memory_space<vmem>> -> memref<1x16xi32, #tpu.memory_space<vmem>>
    %dma_wait3A_90 = tpu.memref_squeeze %dma_wait3A_89 : memref<1x16xi32, #tpu.memory_space<vmem>> -> memref<16xi32, #tpu.memory_space<vmem>>
    %dma_wait3A_91 = arith.constant 0 : i32
    %dma_wait3A_92 = tpu.memref_slice %arg3[%dma_wait3A_91] : memref<3840xf32, #tpu.memory_space<hbm>> -> memref<3840xf32, #tpu.memory_space<hbm>>
    tpu.wait_indirect_dma semaphore(%arg14 : memref<!tpu.dma_semaphore, #tpu.memory_space<semaphore_mem>>) src(%dma_wait3A_92 : memref<3840xf32, #tpu.memory_space<hbm>>) dst(%dma_wait3A_87 : memref<16xf32, #tpu.memory_space<vmem>>)
    %dma_wait3A_93 = arith.constant 0 : i32
    %dma_wait3A_94 = arith.constant 0 : i32
    %dma_wait3A_95 = arith.constant 0 : i32
    %dma_wait3A_96 = tpu.memref_slice %arg11[%dma_wait3A_94, %dma_wait3A_95] : memref<4x16xf32, #tpu.memory_space<vmem>> -> memref<1x16xf32, #tpu.memory_space<vmem>>
    %dma_wait3A_97 = tpu.memref_squeeze %dma_wait3A_96 : memref<1x16xf32, #tpu.memory_space<vmem>> -> memref<16xf32, #tpu.memory_space<vmem>>
    %dma_wait3A_98 = arith.constant 0 : i32
    %dma_wait3A_99 = tpu.memref_slice %arg8[%dma_wait3A_93, %dma_wait3A_98] : memref<4x16xi32, #tpu.memory_space<vmem>> -> memref<1x16xi32, #tpu.memory_space<vmem>>
    %dma_wait3A_100 = tpu.memref_squeeze %dma_wait3A_99 : memref<1x16xi32, #tpu.memory_space<vmem>> -> memref<16xi32, #tpu.memory_space<vmem>>
    %dma_wait3A_101 = arith.constant 0 : i32
    %dma_wait3A_102 = tpu.memref_slice %arg4[%dma_wait3A_101] : memref<3840xf32, #tpu.memory_space<hbm>> -> memref<3840xf32, #tpu.memory_space<hbm>>
    tpu.wait_indirect_dma semaphore(%arg15 : memref<!tpu.dma_semaphore, #tpu.memory_space<semaphore_mem>>) src(%dma_wait3A_102 : memref<3840xf32, #tpu.memory_space<hbm>>) dst(%dma_wait3A_97 : memref<16xf32, #tpu.memory_space<vmem>>)
    %dma_wait3A_103 = arith.constant 1 : i32
    %dma_wait3A_104 = arith.constant 1 : i32
    %dma_wait3A_105 = arith.constant 0 : i32
    %dma_wait3A_106 = tpu.memref_slice %arg10[%dma_wait3A_104, %dma_wait3A_105] : memref<4x16xf32, #tpu.memory_space<vmem>> -> memref<1x16xf32, #tpu.memory_space<vmem>>
    %dma_wait3A_107 = tpu.memref_squeeze %dma_wait3A_106 : memref<1x16xf32, #tpu.memory_space<vmem>> -> memref<16xf32, #tpu.memory_space<vmem>>
    %dma_wait3A_108 = arith.constant 0 : i32
    %dma_wait3A_109 = tpu.memref_slice %arg8[%dma_wait3A_103, %dma_wait3A_108] : memref<4x16xi32, #tpu.memory_space<vmem>> -> memref<1x16xi32, #tpu.memory_space<vmem>>
    %dma_wait3A_110 = tpu.memref_squeeze %dma_wait3A_109 : memref<1x16xi32, #tpu.memory_space<vmem>> -> memref<16xi32, #tpu.memory_space<vmem>>
    %dma_wait3A_111 = arith.constant 0 : i32
    %dma_wait3A_112 = tpu.memref_slice %arg3[%dma_wait3A_111] : memref<3840xf32, #tpu.memory_space<hbm>> -> memref<3840xf32, #tpu.memory_space<hbm>>
    tpu.wait_indirect_dma semaphore(%arg14 : memref<!tpu.dma_semaphore, #tpu.memory_space<semaphore_mem>>) src(%dma_wait3A_112 : memref<3840xf32, #tpu.memory_space<hbm>>) dst(%dma_wait3A_107 : memref<16xf32, #tpu.memory_space<vmem>>)
    %dma_wait3A_113 = arith.constant 1 : i32
    %dma_wait3A_114 = arith.constant 1 : i32
    %dma_wait3A_115 = arith.constant 0 : i32
    %dma_wait3A_116 = tpu.memref_slice %arg11[%dma_wait3A_114, %dma_wait3A_115] : memref<4x16xf32, #tpu.memory_space<vmem>> -> memref<1x16xf32, #tpu.memory_space<vmem>>
    %dma_wait3A_117 = tpu.memref_squeeze %dma_wait3A_116 : memref<1x16xf32, #tpu.memory_space<vmem>> -> memref<16xf32, #tpu.memory_space<vmem>>
    %dma_wait3A_118 = arith.constant 0 : i32
    %dma_wait3A_119 = tpu.memref_slice %arg8[%dma_wait3A_113, %dma_wait3A_118] : memref<4x16xi32, #tpu.memory_space<vmem>> -> memref<1x16xi32, #tpu.memory_space<vmem>>
    %dma_wait3A_120 = tpu.memref_squeeze %dma_wait3A_119 : memref<1x16xi32, #tpu.memory_space<vmem>> -> memref<16xi32, #tpu.memory_space<vmem>>
    %dma_wait3A_121 = arith.constant 0 : i32
    %dma_wait3A_122 = tpu.memref_slice %arg4[%dma_wait3A_121] : memref<3840xf32, #tpu.memory_space<hbm>> -> memref<3840xf32, #tpu.memory_space<hbm>>
    tpu.wait_indirect_dma semaphore(%arg15 : memref<!tpu.dma_semaphore, #tpu.memory_space<semaphore_mem>>) src(%dma_wait3A_122 : memref<3840xf32, #tpu.memory_space<hbm>>) dst(%dma_wait3A_117 : memref<16xf32, #tpu.memory_space<vmem>>)
    %dma_wait3A_123 = arith.constant 2 : i32
    %dma_wait3A_124 = arith.constant 2 : i32
    %dma_wait3A_125 = arith.constant 0 : i32
    %dma_wait3A_126 = tpu.memref_slice %arg10[%dma_wait3A_124, %dma_wait3A_125] : memref<4x16xf32, #tpu.memory_space<vmem>> -> memref<1x16xf32, #tpu.memory_space<vmem>>
    %dma_wait3A_127 = tpu.memref_squeeze %dma_wait3A_126 : memref<1x16xf32, #tpu.memory_space<vmem>> -> memref<16xf32, #tpu.memory_space<vmem>>
    %dma_wait3A_128 = arith.constant 0 : i32
    %dma_wait3A_129 = tpu.memref_slice %arg8[%dma_wait3A_123, %dma_wait3A_128] : memref<4x16xi32, #tpu.memory_space<vmem>> -> memref<1x16xi32, #tpu.memory_space<vmem>>
    %dma_wait3A_130 = tpu.memref_squeeze %dma_wait3A_129 : memref<1x16xi32, #tpu.memory_space<vmem>> -> memref<16xi32, #tpu.memory_space<vmem>>
    %dma_wait3A_131 = arith.constant 0 : i32
    %dma_wait3A_132 = tpu.memref_slice %arg3[%dma_wait3A_131] : memref<3840xf32, #tpu.memory_space<hbm>> -> memref<3840xf32, #tpu.memory_space<hbm>>
    tpu.wait_indirect_dma semaphore(%arg14 : memref<!tpu.dma_semaphore, #tpu.memory_space<semaphore_mem>>) src(%dma_wait3A_132 : memref<3840xf32, #tpu.memory_space<hbm>>) dst(%dma_wait3A_127 : memref<16xf32, #tpu.memory_space<vmem>>)
    %dma_wait3A_133 = arith.constant 2 : i32
    %dma_wait3A_134 = arith.constant 2 : i32
    %dma_wait3A_135 = arith.constant 0 : i32
    %dma_wait3A_136 = tpu.memref_slice %arg11[%dma_wait3A_134, %dma_wait3A_135] : memref<4x16xf32, #tpu.memory_space<vmem>> -> memref<1x16xf32, #tpu.memory_space<vmem>>
    %dma_wait3A_137 = tpu.memref_squeeze %dma_wait3A_136 : memref<1x16xf32, #tpu.memory_space<vmem>> -> memref<16xf32, #tpu.memory_space<vmem>>
    %dma_wait3A_138 = arith.constant 0 : i32
    %dma_wait3A_139 = tpu.memref_slice %arg8[%dma_wait3A_133, %dma_wait3A_138] : memref<4x16xi32, #tpu.memory_space<vmem>> -> memref<1x16xi32, #tpu.memory_space<vmem>>
    %dma_wait3A_140 = tpu.memref_squeeze %dma_wait3A_139 : memref<1x16xi32, #tpu.memory_space<vmem>> -> memref<16xi32, #tpu.memory_space<vmem>>
    %dma_wait3A_141 = arith.constant 0 : i32
    %dma_wait3A_142 = tpu.memref_slice %arg4[%dma_wait3A_141] : memref<3840xf32, #tpu.memory_space<hbm>> -> memref<3840xf32, #tpu.memory_space<hbm>>
    tpu.wait_indirect_dma semaphore(%arg15 : memref<!tpu.dma_semaphore, #tpu.memory_space<semaphore_mem>>) src(%dma_wait3A_142 : memref<3840xf32, #tpu.memory_space<hbm>>) dst(%dma_wait3A_137 : memref<16xf32, #tpu.memory_space<vmem>>)
    %dma_wait3A_143 = arith.constant 3 : i32
    %dma_wait3A_144 = arith.constant 3 : i32
    %dma_wait3A_145 = arith.constant 0 : i32
    %dma_wait3A_146 = tpu.memref_slice %arg10[%dma_wait3A_144, %dma_wait3A_145] : memref<4x16xf32, #tpu.memory_space<vmem>> -> memref<1x16xf32, #tpu.memory_space<vmem>>
    %dma_wait3A_147 = tpu.memref_squeeze %dma_wait3A_146 : memref<1x16xf32, #tpu.memory_space<vmem>> -> memref<16xf32, #tpu.memory_space<vmem>>
    %dma_wait3A_148 = arith.constant 0 : i32
    %dma_wait3A_149 = tpu.memref_slice %arg8[%dma_wait3A_143, %dma_wait3A_148] : memref<4x16xi32, #tpu.memory_space<vmem>> -> memref<1x16xi32, #tpu.memory_space<vmem>>
    %dma_wait3A_150 = tpu.memref_squeeze %dma_wait3A_149 : memref<1x16xi32, #tpu.memory_space<vmem>> -> memref<16xi32, #tpu.memory_space<vmem>>
    %dma_wait3A_151 = arith.constant 0 : i32
    %dma_wait3A_152 = tpu.memref_slice %arg3[%dma_wait3A_151] : memref<3840xf32, #tpu.memory_space<hbm>> -> memref<3840xf32, #tpu.memory_space<hbm>>
    tpu.wait_indirect_dma semaphore(%arg14 : memref<!tpu.dma_semaphore, #tpu.memory_space<semaphore_mem>>) src(%dma_wait3A_152 : memref<3840xf32, #tpu.memory_space<hbm>>) dst(%dma_wait3A_147 : memref<16xf32, #tpu.memory_space<vmem>>)
    %dma_wait3A_153 = arith.constant 3 : i32
    %dma_wait3A_154 = arith.constant 3 : i32
    %dma_wait3A_155 = arith.constant 0 : i32
    %dma_wait3A_156 = tpu.memref_slice %arg11[%dma_wait3A_154, %dma_wait3A_155] : memref<4x16xf32, #tpu.memory_space<vmem>> -> memref<1x16xf32, #tpu.memory_space<vmem>>
    %dma_wait3A_157 = tpu.memref_squeeze %dma_wait3A_156 : memref<1x16xf32, #tpu.memory_space<vmem>> -> memref<16xf32, #tpu.memory_space<vmem>>
    %dma_wait3A_158 = arith.constant 0 : i32
    %dma_wait3A_159 = tpu.memref_slice %arg8[%dma_wait3A_153, %dma_wait3A_158] : memref<4x16xi32, #tpu.memory_space<vmem>> -> memref<1x16xi32, #tpu.memory_space<vmem>>
    %dma_wait3A_160 = tpu.memref_squeeze %dma_wait3A_159 : memref<1x16xi32, #tpu.memory_space<vmem>> -> memref<16xi32, #tpu.memory_space<vmem>>
    %dma_wait3A_161 = arith.constant 0 : i32
    %dma_wait3A_162 = tpu.memref_slice %arg4[%dma_wait3A_161] : memref<3840xf32, #tpu.memory_space<hbm>> -> memref<3840xf32, #tpu.memory_space<hbm>>
    tpu.wait_indirect_dma semaphore(%arg15 : memref<!tpu.dma_semaphore, #tpu.memory_space<semaphore_mem>>) src(%dma_wait3A_162 : memref<3840xf32, #tpu.memory_space<hbm>>) dst(%dma_wait3A_157 : memref<16xf32, #tpu.memory_space<vmem>>)
    %get3A = arith.constant 0 : i32
    %get3A_163 = arith.index_cast %get3A : i32 to index
    %get3A_164 = arith.constant 0 : index
    %get3A_165 = tpu.vector_load %arg9[%get3A_163, %get3A_164] {strides = array<i32>} : memref<4x16xf32, #tpu.memory_space<vmem>>, vector<1x16xf32>,
    %get3A_166 = vector.shape_cast %get3A_165 : vector<1x16xf32> to vector<16xf32>
    %get3A_167 = arith.constant 0 : i32
    %get3A_168 = arith.index_cast %get3A_167 : i32 to index
    %get3A_169 = arith.constant 0 : index
    %get3A_170 = tpu.vector_load %arg10[%get3A_168, %get3A_169] {strides = array<i32>} : memref<4x16xf32, #tpu.memory_space<vmem>>, vector<1x16xf32>,
    %get3A_171 = vector.shape_cast %get3A_170 : vector<1x16xf32> to vector<16xf32>
    %mul3A_172 = arith.mulf %get3A_166, %get3A_171 : vector<16xf32>
    %get3A_173 = arith.constant 0 : i32
    %get3A_174 = arith.index_cast %get3A_173 : i32 to index
    %get3A_175 = arith.constant 0 : index
    %get3A_176 = tpu.vector_load %arg11[%get3A_174, %get3A_175] {strides = array<i32>} : memref<4x16xf32, #tpu.memory_space<vmem>>, vector<1x16xf32>,
    %get3A_177 = vector.shape_cast %get3A_176 : vector<1x16xf32> to vector<16xf32>
    %mul3A_178 = arith.mulf %get3A_166, %get3A_177 : vector<16xf32>
    %max3A = arith.maximumf %mul3A_172, %mul3A_178 : vector<16xf32>
    %sub3A = arith.subf %mul3A_172, %max3A : vector<16xf32>
    %exp3A = math.exp %sub3A : vector<16xf32>
    %sub3A_179 = arith.subf %mul3A_178, %max3A : vector<16xf32>
    %exp3A_180 = math.exp %sub3A_179 : vector<16xf32>
    %add3A_181 = arith.addf %exp3A, %exp3A_180 : vector<16xf32>
    %div3A = arith.divf %exp3A, %add3A_181 : vector<16xf32>
    %swap3A = arith.constant 0 : i32
    %swap3A_182 = arith.index_cast %swap3A : i32 to index
    %swap3A_183 = arith.constant 0 : index
    %swap3A_184 = tpu.vector_load %arg12[%swap3A_182, %swap3A_183] {strides = array<i32>} : memref<4x16xf32, #tpu.memory_space<vmem>>, vector<1x16xf32>,
    %swap3A_185 = vector.shape_cast %swap3A_184 : vector<1x16xf32> to vector<16xf32>
    %swap3A_186 = vector.shape_cast %div3A : vector<16xf32> to vector<1x16xf32>
    tpu.vector_store %arg12[%swap3A_182, %swap3A_183], %swap3A_186 {strides = array<i32>} : memref<4x16xf32, #tpu.memory_space<vmem>>, vector<1x16xf32>,
    %div3A_187 = arith.divf %exp3A_180, %add3A_181 : vector<16xf32>
    %swap3A_188 = arith.constant 0 : i32
    %swap3A_189 = arith.index_cast %swap3A_188 : i32 to index
    %swap3A_190 = arith.constant 0 : index
    %swap3A_191 = tpu.vector_load %arg13[%swap3A_189, %swap3A_190] {strides = array<i32>} : memref<4x16xf32, #tpu.memory_space<vmem>>, vector<1x16xf32>,
    %swap3A_192 = vector.shape_cast %swap3A_191 : vector<1x16xf32> to vector<16xf32>
    %swap3A_193 = vector.shape_cast %div3A_187 : vector<16xf32> to vector<1x16xf32>
    tpu.vector_store %arg13[%swap3A_189, %swap3A_190], %swap3A_193 {strides = array<i32>} : memref<4x16xf32, #tpu.memory_space<vmem>>, vector<1x16xf32>,
    %get3A_194 = arith.constant 1 : i32
    %get3A_195 = arith.index_cast %get3A_194 : i32 to index
    %get3A_196 = arith.constant 0 : index
    %get3A_197 = tpu.vector_load %arg9[%get3A_195, %get3A_196] {strides = array<i32>} : memref<4x16xf32, #tpu.memory_space<vmem>>, vector<1x16xf32>,
    %get3A_198 = vector.shape_cast %get3A_197 : vector<1x16xf32> to vector<16xf32>
    %get3A_199 = arith.constant 1 : i32
    %get3A_200 = arith.index_cast %get3A_199 : i32 to index
    %get3A_201 = arith.constant 0 : index
    %get3A_202 = tpu.vector_load %arg10[%get3A_200, %get3A_201] {strides = array<i32>} : memref<4x16xf32, #tpu.memory_space<vmem>>, vector<1x16xf32>,
    %get3A_203 = vector.shape_cast %get3A_202 : vector<1x16xf32> to vector<16xf32>
    %mul3A_204 = arith.mulf %get3A_198, %get3A_203 : vector<16xf32>
    %get3A_205 = arith.constant 1 : i32
    %get3A_206 = arith.index_cast %get3A_205 : i32 to index
    %get3A_207 = arith.constant 0 : index
    %get3A_208 = tpu.vector_load %arg11[%get3A_206, %get3A_207] {strides = array<i32>} : memref<4x16xf32, #tpu.memory_space<vmem>>, vector<1x16xf32>,
    %get3A_209 = vector.shape_cast %get3A_208 : vector<1x16xf32> to vector<16xf32>
    %mul3A_210 = arith.mulf %get3A_198, %get3A_209 : vector<16xf32>
    %max3A_211 = arith.maximumf %mul3A_204, %mul3A_210 : vector<16xf32>
    %sub3A_212 = arith.subf %mul3A_204, %max3A_211 : vector<16xf32>
    %exp3A_213 = math.exp %sub3A_212 : vector<16xf32>
    %sub3A_214 = arith.subf %mul3A_210, %max3A_211 : vector<16xf32>
    %exp3A_215 = math.exp %sub3A_214 : vector<16xf32>
    %add3A_216 = arith.addf %exp3A_213, %exp3A_215 : vector<16xf32>
    %div3A_217 = arith.divf %exp3A_213, %add3A_216 : vector<16xf32>
    %swap3A_218 = arith.constant 1 : i32
    %swap3A_219 = arith.index_cast %swap3A_218 : i32 to index
    %swap3A_220 = arith.constant 0 : index
    %swap3A_221 = tpu.vector_load %arg12[%swap3A_219, %swap3A_220] {strides = array<i32>} : memref<4x16xf32, #tpu.memory_space<vmem>>, vector<1x16xf32>,
    %swap3A_222 = vector.shape_cast %swap3A_221 : vector<1x16xf32> to vector<16xf32>
    %swap3A_223 = vector.shape_cast %div3A_217 : vector<16xf32> to vector<1x16xf32>
    tpu.vector_store %arg12[%swap3A_219, %swap3A_220], %swap3A_223 {strides = array<i32>} : memref<4x16xf32, #tpu.memory_space<vmem>>, vector<1x16xf32>,
    %div3A_224 = arith.divf %exp3A_215, %add3A_216 : vector<16xf32>
    %swap3A_225 = arith.constant 1 : i32
    %swap3A_226 = arith.index_cast %swap3A_225 : i32 to index
    %swap3A_227 = arith.constant 0 : index
    %swap3A_228 = tpu.vector_load %arg13[%swap3A_226, %swap3A_227] {strides = array<i32>} : memref<4x16xf32, #tpu.memory_space<vmem>>, vector<1x16xf32>,
    %swap3A_229 = vector.shape_cast %swap3A_228 : vector<1x16xf32> to vector<16xf32>
    %swap3A_230 = vector.shape_cast %div3A_224 : vector<16xf32> to vector<1x16xf32>
    tpu.vector_store %arg13[%swap3A_226, %swap3A_227], %swap3A_230 {strides = array<i32>} : memref<4x16xf32, #tpu.memory_space<vmem>>, vector<1x16xf32>,
    %get3A_231 = arith.constant 2 : i32
    %get3A_232 = arith.index_cast %get3A_231 : i32 to index
    %get3A_233 = arith.constant 0 : index
    %get3A_234 = tpu.vector_load %arg9[%get3A_232, %get3A_233] {strides = array<i32>} : memref<4x16xf32, #tpu.memory_space<vmem>>, vector<1x16xf32>,
    %get3A_235 = vector.shape_cast %get3A_234 : vector<1x16xf32> to vector<16xf32>
    %get3A_236 = arith.constant 2 : i32
    %get3A_237 = arith.index_cast %get3A_236 : i32 to index
    %get3A_238 = arith.constant 0 : index
    %get3A_239 = tpu.vector_load %arg10[%get3A_237, %get3A_238] {strides = array<i32>} : memref<4x16xf32, #tpu.memory_space<vmem>>, vector<1x16xf32>,
    %get3A_240 = vector.shape_cast %get3A_239 : vector<1x16xf32> to vector<16xf32>
    %mul3A_241 = arith.mulf %get3A_235, %get3A_240 : vector<16xf32>
    %get3A_242 = arith.constant 2 : i32
    %get3A_243 = arith.index_cast %get3A_242 : i32 to index
    %get3A_244 = arith.constant 0 : index
    %get3A_245 = tpu.vector_load %arg11[%get3A_243, %get3A_244] {strides = array<i32>} : memref<4x16xf32, #tpu.memory_space<vmem>>, vector<1x16xf32>,
    %get3A_246 = vector.shape_cast %get3A_245 : vector<1x16xf32> to vector<16xf32>
    %mul3A_247 = arith.mulf %get3A_235, %get3A_246 : vector<16xf32>
    %max3A_248 = arith.maximumf %mul3A_241, %mul3A_247 : vector<16xf32>
    %sub3A_249 = arith.subf %mul3A_241, %max3A_248 : vector<16xf32>
    %exp3A_250 = math.exp %sub3A_249 : vector<16xf32>
    %sub3A_251 = arith.subf %mul3A_247, %max3A_248 : vector<16xf32>
    %exp3A_252 = math.exp %sub3A_251 : vector<16xf32>
    %add3A_253 = arith.addf %exp3A_250, %exp3A_252 : vector<16xf32>
    %div3A_254 = arith.divf %exp3A_250, %add3A_253 : vector<16xf32>
    %swap3A_255 = arith.constant 2 : i32
    %swap3A_256 = arith.index_cast %swap3A_255 : i32 to index
    %swap3A_257 = arith.constant 0 : index
    %swap3A_258 = tpu.vector_load %arg12[%swap3A_256, %swap3A_257] {strides = array<i32>} : memref<4x16xf32, #tpu.memory_space<vmem>>, vector<1x16xf32>,
    %swap3A_259 = vector.shape_cast %swap3A_258 : vector<1x16xf32> to vector<16xf32>
    %swap3A_260 = vector.shape_cast %div3A_254 : vector<16xf32> to vector<1x16xf32>
    tpu.vector_store %arg12[%swap3A_256, %swap3A_257], %swap3A_260 {strides = array<i32>} : memref<4x16xf32, #tpu.memory_space<vmem>>, vector<1x16xf32>,
    %div3A_261 = arith.divf %exp3A_252, %add3A_253 : vector<16xf32>
    %swap3A_262 = arith.constant 2 : i32
    %swap3A_263 = arith.index_cast %swap3A_262 : i32 to index
    %swap3A_264 = arith.constant 0 : index
    %swap3A_265 = tpu.vector_load %arg13[%swap3A_263, %swap3A_264] {strides = array<i32>} : memref<4x16xf32, #tpu.memory_space<vmem>>, vector<1x16xf32>,
    %swap3A_266 = vector.shape_cast %swap3A_265 : vector<1x16xf32> to vector<16xf32>
    %swap3A_267 = vector.shape_cast %div3A_261 : vector<16xf32> to vector<1x16xf32>
    tpu.vector_store %arg13[%swap3A_263, %swap3A_264], %swap3A_267 {strides = array<i32>} : memref<4x16xf32, #tpu.memory_space<vmem>>, vector<1x16xf32>,
    %get3A_268 = arith.constant 3 : i32
    %get3A_269 = arith.index_cast %get3A_268 : i32 to index
    %get3A_270 = arith.constant 0 : index
    %get3A_271 = tpu.vector_load %arg9[%get3A_269, %get3A_270] {strides = array<i32>} : memref<4x16xf32, #tpu.memory_space<vmem>>, vector<1x16xf32>,
    %get3A_272 = vector.shape_cast %get3A_271 : vector<1x16xf32> to vector<16xf32>
    %get3A_273 = arith.constant 3 : i32
    %get3A_274 = arith.index_cast %get3A_273 : i32 to index
    %get3A_275 = arith.constant 0 : index
    %get3A_276 = tpu.vector_load %arg10[%get3A_274, %get3A_275] {strides = array<i32>} : memref<4x16xf32, #tpu.memory_space<vmem>>, vector<1x16xf32>,
    %get3A_277 = vector.shape_cast %get3A_276 : vector<1x16xf32> to vector<16xf32>
    %mul3A_278 = arith.mulf %get3A_272, %get3A_277 : vector<16xf32>
    %get3A_279 = arith.constant 3 : i32
    %get3A_280 = arith.index_cast %get3A_279 : i32 to index
    %get3A_281 = arith.constant 0 : index
    %get3A_282 = tpu.vector_load %arg11[%get3A_280, %get3A_281] {strides = array<i32>} : memref<4x16xf32, #tpu.memory_space<vmem>>, vector<1x16xf32>,
    %get3A_283 = vector.shape_cast %get3A_282 : vector<1x16xf32> to vector<16xf32>
    %mul3A_284 = arith.mulf %get3A_272, %get3A_283 : vector<16xf32>
    %max3A_285 = arith.maximumf %mul3A_278, %mul3A_284 : vector<16xf32>
    %sub3A_286 = arith.subf %mul3A_278, %max3A_285 : vector<16xf32>
    %exp3A_287 = math.exp %sub3A_286 : vector<16xf32>
    %sub3A_288 = arith.subf %mul3A_284, %max3A_285 : vector<16xf32>
    %exp3A_289 = math.exp %sub3A_288 : vector<16xf32>
    %add3A_290 = arith.addf %exp3A_287, %exp3A_289 : vector<16xf32>
    %div3A_291 = arith.divf %exp3A_287, %add3A_290 : vector<16xf32>
    %swap3A_292 = arith.constant 3 : i32
    %swap3A_293 = arith.index_cast %swap3A_292 : i32 to index
    %swap3A_294 = arith.constant 0 : index
    %swap3A_295 = tpu.vector_load %arg12[%swap3A_293, %swap3A_294] {strides = array<i32>} : memref<4x16xf32, #tpu.memory_space<vmem>>, vector<1x16xf32>,
    %swap3A_296 = vector.shape_cast %swap3A_295 : vector<1x16xf32> to vector<16xf32>
    %swap3A_297 = vector.shape_cast %div3A_291 : vector<16xf32> to vector<1x16xf32>
    tpu.vector_store %arg12[%swap3A_293, %swap3A_294], %swap3A_297 {strides = array<i32>} : memref<4x16xf32, #tpu.memory_space<vmem>>, vector<1x16xf32>,
    %div3A_298 = arith.divf %exp3A_289, %add3A_290 : vector<16xf32>
    %swap3A_299 = arith.constant 3 : i32
    %swap3A_300 = arith.index_cast %swap3A_299 : i32 to index
    %swap3A_301 = arith.constant 0 : index
    %swap3A_302 = tpu.vector_load %arg13[%swap3A_300, %swap3A_301] {strides = array<i32>} : memref<4x16xf32, #tpu.memory_space<vmem>>, vector<1x16xf32>,
    %swap3A_303 = vector.shape_cast %swap3A_302 : vector<1x16xf32> to vector<16xf32>
    %swap3A_304 = vector.shape_cast %div3A_298 : vector<16xf32> to vector<1x16xf32>
    tpu.vector_store %arg13[%swap3A_300, %swap3A_301], %swap3A_304 {strides = array<i32>} : memref<4x16xf32, #tpu.memory_space<vmem>>, vector<1x16xf32>,
    %mul3A_305 = arith.constant 4 : i32
    %mul3A_306 = arith.muli %add3A, %mul3A_305 : i32
    "tpu.region"() ({
      %run_scoped3A = tpu.sem_alloc : memref<!tpu.dma_semaphore, #tpu.memory_space<semaphore_mem>>
      %dma_start3A_309 = arith.constant 0 : i32
      %dma_start3A_310 = tpu.memref_slice %arg6[%mul3A_306, %dma_start3A_309] : memref<128x16xf32, #tpu.memory_space<hbm>> -> memref<4x16xf32, #tpu.memory_space<hbm>>
      %dma_start3A_311 = arith.constant 0 : i32
      %dma_start3A_312 = tpu.memref_slice %arg6[%mul3A_306, %dma_start3A_311] : memref<128x16xf32, #tpu.memory_space<hbm>> -> memref<4x16xf32, #tpu.memory_space<hbm>>
      tpu.enqueue_dma source(%arg12 : memref<4x16xf32, #tpu.memory_space<vmem>>) target(%dma_start3A_312 : memref<4x16xf32, #tpu.memory_space<hbm>>) target_semaphore(%run_scoped3A : memref<!tpu.dma_semaphore, #tpu.memory_space<semaphore_mem>>)
      %dma_wait3A_313 = arith.constant 0 : i32
      %dma_wait3A_314 = tpu.memref_slice %arg6[%mul3A_306, %dma_wait3A_313] : memref<128x16xf32, #tpu.memory_space<hbm>> -> memref<4x16xf32, #tpu.memory_space<hbm>>
      %dma_wait3A_315 = arith.constant 0 : i32
      %dma_wait3A_316 = tpu.memref_slice %arg6[%mul3A_306, %dma_wait3A_315] : memref<128x16xf32, #tpu.memory_space<hbm>> -> memref<4x16xf32, #tpu.memory_space<hbm>>
      tpu.wait_dma2 semaphore(%run_scoped3A : memref<!tpu.dma_semaphore, #tpu.memory_space<semaphore_mem>>) src(%arg12 : memref<4x16xf32, #tpu.memory_space<vmem>>) dst(%dma_wait3A_316 : memref<4x16xf32, #tpu.memory_space<hbm>>)
      tpu.yield
    }) : () -> ()
    %mul3A_307 = arith.constant 4 : i32
    %mul3A_308 = arith.muli %add3A, %mul3A_307 : i32
    "tpu.region"() ({
      %run_scoped3A = tpu.sem_alloc : memref<!tpu.dma_semaphore, #tpu.memory_space<semaphore_mem>>
      %dma_start3A_309 = arith.constant 0 : i32
      %dma_start3A_310 = tpu.memref_slice %arg7[%mul3A_308, %dma_start3A_309] : memref<128x16xf32, #tpu.memory_space<hbm>> -> memref<4x16xf32, #tpu.memory_space<hbm>>
      %dma_start3A_311 = arith.constant 0 : i32
      %dma_start3A_312 = tpu.memref_slice %arg7[%mul3A_308, %dma_start3A_311] : memref<128x16xf32, #tpu.memory_space<hbm>> -> memref<4x16xf32, #tpu.memory_space<hbm>>
      tpu.enqueue_dma source(%arg13 : memref<4x16xf32, #tpu.memory_space<vmem>>) target(%dma_start3A_312 : memref<4x16xf32, #tpu.memory_space<hbm>>) target_semaphore(%run_scoped3A : memref<!tpu.dma_semaphore, #tpu.memory_space<semaphore_mem>>)
      %dma_wait3A_313 = arith.constant 0 : i32
      %dma_wait3A_314 = tpu.memref_slice %arg7[%mul3A_308, %dma_wait3A_313] : memref<128x16xf32, #tpu.memory_space<hbm>> -> memref<4x16xf32, #tpu.memory_space<hbm>>
      %dma_wait3A_315 = arith.constant 0 : i32
      %dma_wait3A_316 = tpu.memref_slice %arg7[%mul3A_308, %dma_wait3A_315] : memref<128x16xf32, #tpu.memory_space<hbm>> -> memref<4x16xf32, #tpu.memory_space<hbm>>
      tpu.wait_dma2 semaphore(%run_scoped3A : memref<!tpu.dma_semaphore, #tpu.memory_space<semaphore_mem>>) src(%arg13 : memref<4x16xf32, #tpu.memory_space<vmem>>) dst(%dma_wait3A_316 : memref<4x16xf32, #tpu.memory_space<hbm>>)
      tpu.yield
    }) : () -> ()
    return
  }
}

#map = affine_map<(d0, d1) -> (0, 0)>
#map1 = affine_map<(d0, d1) -> (0, 0, 0)>
#map2 = affine_map<(d0, d1) -> (0)>
module attributes {stable_mosaic.version = 14 : i64} {
  func.func @dispatch(%arg0: i32, %arg1: i32, %arg2: memref<1x16xi32, #tpu.memory_space<hbm>>, %arg3: memref<128x16xi32, #tpu.memory_space<hbm>>, %arg4: memref<128x16xi32, #tpu.memory_space<hbm>>, %arg5: memref<2048x16x128xf32, #tpu.memory_space<hbm>>, %arg6: memref<128x16xi32, #tpu.memory_space<hbm>>, %arg7: memref<3840x16x128xf32, #tpu.memory_space<hbm>>, %arg8: memref<32xi32, #tpu.memory_space<hbm>>, %arg9: memref<1x16xi32, #tpu.memory_space<vmem>>, %arg10: memref<4x16xi32, #tpu.memory_space<vmem>>, %arg11: memref<4x16xi32, #tpu.memory_space<vmem>>, %arg12: memref<4x16xi32, #tpu.memory_space<vmem>>, %arg13: memref<2x16xi32, #tpu.memory_space<vmem>>, %arg14: memref<16x16x128xf32, #tpu.memory_space<vmem>>, %arg15: memref<16x16x128xf32, #tpu.memory_space<vmem>>, %arg16: memref<!tpu.dma_semaphore, #tpu.memory_space<semaphore_mem>>, %arg17: memref<!tpu.dma_semaphore, #tpu.memory_space<semaphore_mem>>, %arg18: memref<!tpu.dma_semaphore, #tpu.memory_space<semaphore_mem>>, %arg19: memref<!tpu.dma_semaphore, #tpu.memory_space<semaphore_mem>>) attributes {dimension_semantics = [#tpu.dimension_semantics<core_parallel>, #tpu.dimension_semantics<subcore_parallel>], iteration_bounds = array<i64: 2, 16>, scalar_prefetch = 0 : i64, scratch_operands = 11 : i64, tpu.core_type = #tpu.core_type<sc_vector_subcore>, window_params = [{transform_indices = #map}, {transform_indices = #map}, {transform_indices = #map}, {transform_indices = #map1}, {transform_indices = #map}, {transform_indices = #map1}, {transform_indices = #map2}]} {
    %mul3A = arith.constant 2 : i32
    %mul3A_0 = arith.muli %arg1, %mul3A : i32
    %add3A = arith.addi %mul3A_0, %arg0 : i32
    "tpu.region"() ({
      %run_scoped3A = tpu.sem_alloc : memref<!tpu.dma_semaphore, #tpu.memory_space<semaphore_mem>>
      tpu.enqueue_dma source(%arg2 : memref<1x16xi32, #tpu.memory_space<hbm>>) target(%arg9 : memref<1x16xi32, #tpu.memory_space<vmem>>) target_semaphore(%run_scoped3A : memref<!tpu.dma_semaphore, #tpu.memory_space<semaphore_mem>>)
      tpu.wait_dma2 semaphore(%run_scoped3A : memref<!tpu.dma_semaphore, #tpu.memory_space<semaphore_mem>>) src(%arg2 : memref<1x16xi32, #tpu.memory_space<hbm>>) dst(%arg9 : memref<1x16xi32, #tpu.memory_space<vmem>>)
      tpu.yield
    }) : () -> ()
    %get3A = arith.constant 0 : i32
    %get3A_1 = arith.index_cast %get3A : i32 to index
    %get3A_2 = arith.constant 0 : index
    %get3A_3 = tpu.vector_load %arg9[%get3A_1, %get3A_2] {strides = array<i32>} : memref<1x16xi32, #tpu.memory_space<vmem>>, vector<1x16xi32>,
    %get3A_4 = vector.shape_cast %get3A_3 : vector<1x16xi32> to vector<16xi32>
    %add3A_5 = arith.constant 255 : i32
    %add3A_6 = vector.broadcast %add3A_5 : i32 to vector<16xi32>
    %add3A_7 = arith.addi %get3A_4, %add3A_6 : vector<16xi32>
    %shift_right_arithmetic3A = arith.constant 8 : i32
    %shift_right_arithmetic3A_8 = vector.broadcast %shift_right_arithmetic3A : i32 to vector<16xi32>
    %shift_right_arithmetic3A_9 = arith.shrsi %add3A_7, %shift_right_arithmetic3A_8 : vector<16xi32>
    %shift_left3A = arith.constant 8 : i32
    %shift_left3A_10 = vector.broadcast %shift_left3A : i32 to vector<16xi32>
    %shift_left3A_11 = arith.shli %shift_right_arithmetic3A_9, %shift_left3A_10 : vector<16xi32>
    %slice3A = vector.extract_strided_slice %shift_left3A_11 {offsets = [0], sizes = [1], strides = [1]} : vector<16xi32> to vector<1xi32>
    %squeeze3A = vector.extract %slice3A[0] : i32 from vector<1xi32>
    %add3A_12 = arith.constant 0 : i32
    %add3A_13 = arith.addi %add3A_12, %squeeze3A : i32
    %slice3A_14 = vector.extract_strided_slice %shift_left3A_11 {offsets = [1], sizes = [1], strides = [1]} : vector<16xi32> to vector<1xi32>
    %squeeze3A_15 = vector.extract %slice3A_14[0] : i32 from vector<1xi32>
    %add3A_16 = arith.addi %add3A_13, %squeeze3A_15 : i32
    %slice3A_17 = vector.extract_strided_slice %shift_left3A_11 {offsets = [2], sizes = [1], strides = [1]} : vector<16xi32> to vector<1xi32>
    %squeeze3A_18 = vector.extract %slice3A_17[0] : i32 from vector<1xi32>
    %add3A_19 = arith.addi %add3A_16, %squeeze3A_18 : i32
    %slice3A_20 = vector.extract_strided_slice %shift_left3A_11 {offsets = [3], sizes = [1], strides = [1]} : vector<16xi32> to vector<1xi32>
    %squeeze3A_21 = vector.extract %slice3A_20[0] : i32 from vector<1xi32>
    %add3A_22 = arith.addi %add3A_19, %squeeze3A_21 : i32
    %slice3A_23 = vector.extract_strided_slice %shift_left3A_11 {offsets = [4], sizes = [1], strides = [1]} : vector<16xi32> to vector<1xi32>
    %squeeze3A_24 = vector.extract %slice3A_23[0] : i32 from vector<1xi32>
    %add3A_25 = arith.addi %add3A_22, %squeeze3A_24 : i32
    %slice3A_26 = vector.extract_strided_slice %shift_left3A_11 {offsets = [5], sizes = [1], strides = [1]} : vector<16xi32> to vector<1xi32>
    %squeeze3A_27 = vector.extract %slice3A_26[0] : i32 from vector<1xi32>
    %add3A_28 = arith.addi %add3A_25, %squeeze3A_27 : i32
    %slice3A_29 = vector.extract_strided_slice %shift_left3A_11 {offsets = [6], sizes = [1], strides = [1]} : vector<16xi32> to vector<1xi32>
    %squeeze3A_30 = vector.extract %slice3A_29[0] : i32 from vector<1xi32>
    %add3A_31 = arith.addi %add3A_28, %squeeze3A_30 : i32
    %slice3A_32 = vector.extract_strided_slice %shift_left3A_11 {offsets = [7], sizes = [1], strides = [1]} : vector<16xi32> to vector<1xi32>
    %squeeze3A_33 = vector.extract %slice3A_32[0] : i32 from vector<1xi32>
    %add3A_34 = arith.addi %add3A_31, %squeeze3A_33 : i32
    %mul3A_35 = arith.constant 4 : i32
    %mul3A_36 = arith.muli %add3A, %mul3A_35 : i32
    "tpu.region"() ({
      %run_scoped3A = tpu.sem_alloc : memref<!tpu.dma_semaphore, #tpu.memory_space<semaphore_mem>>
      %dma_start3A_650 = arith.constant 0 : i32
      %dma_start3A_651 = tpu.memref_slice %arg3[%mul3A_36, %dma_start3A_650] : memref<128x16xi32, #tpu.memory_space<hbm>> -> memref<4x16xi32, #tpu.memory_space<hbm>>
      %dma_start3A_652 = arith.constant 0 : i32
      %dma_start3A_653 = tpu.memref_slice %arg3[%mul3A_36, %dma_start3A_652] : memref<128x16xi32, #tpu.memory_space<hbm>> -> memref<4x16xi32, #tpu.memory_space<hbm>>
      tpu.enqueue_dma source(%dma_start3A_653 : memref<4x16xi32, #tpu.memory_space<hbm>>) target(%arg10 : memref<4x16xi32, #tpu.memory_space<vmem>>) target_semaphore(%run_scoped3A : memref<!tpu.dma_semaphore, #tpu.memory_space<semaphore_mem>>)
      %dma_wait3A_654 = arith.constant 0 : i32
      %dma_wait3A_655 = tpu.memref_slice %arg3[%mul3A_36, %dma_wait3A_654] : memref<128x16xi32, #tpu.memory_space<hbm>> -> memref<4x16xi32, #tpu.memory_space<hbm>>
      %dma_wait3A_656 = arith.constant 0 : i32
      %dma_wait3A_657 = tpu.memref_slice %arg3[%mul3A_36, %dma_wait3A_656] : memref<128x16xi32, #tpu.memory_space<hbm>> -> memref<4x16xi32, #tpu.memory_space<hbm>>
      tpu.wait_dma2 semaphore(%run_scoped3A : memref<!tpu.dma_semaphore, #tpu.memory_space<semaphore_mem>>) src(%dma_wait3A_657 : memref<4x16xi32, #tpu.memory_space<hbm>>) dst(%arg10 : memref<4x16xi32, #tpu.memory_space<vmem>>)
      tpu.yield
    }) : () -> ()
    %mul3A_37 = arith.constant 4 : i32
    %mul3A_38 = arith.muli %add3A, %mul3A_37 : i32
    "tpu.region"() ({
      %run_scoped3A = tpu.sem_alloc : memref<!tpu.dma_semaphore, #tpu.memory_space<semaphore_mem>>
      %dma_start3A_650 = arith.constant 0 : i32
      %dma_start3A_651 = tpu.memref_slice %arg4[%mul3A_38, %dma_start3A_650] : memref<128x16xi32, #tpu.memory_space<hbm>> -> memref<4x16xi32, #tpu.memory_space<hbm>>
      %dma_start3A_652 = arith.constant 0 : i32
      %dma_start3A_653 = tpu.memref_slice %arg4[%mul3A_38, %dma_start3A_652] : memref<128x16xi32, #tpu.memory_space<hbm>> -> memref<4x16xi32, #tpu.memory_space<hbm>>
      tpu.enqueue_dma source(%dma_start3A_653 : memref<4x16xi32, #tpu.memory_space<hbm>>) target(%arg11 : memref<4x16xi32, #tpu.memory_space<vmem>>) target_semaphore(%run_scoped3A : memref<!tpu.dma_semaphore, #tpu.memory_space<semaphore_mem>>)
      %dma_wait3A_654 = arith.constant 0 : i32
      %dma_wait3A_655 = tpu.memref_slice %arg4[%mul3A_38, %dma_wait3A_654] : memref<128x16xi32, #tpu.memory_space<hbm>> -> memref<4x16xi32, #tpu.memory_space<hbm>>
      %dma_wait3A_656 = arith.constant 0 : i32
      %dma_wait3A_657 = tpu.memref_slice %arg4[%mul3A_38, %dma_wait3A_656] : memref<128x16xi32, #tpu.memory_space<hbm>> -> memref<4x16xi32, #tpu.memory_space<hbm>>
      tpu.wait_dma2 semaphore(%run_scoped3A : memref<!tpu.dma_semaphore, #tpu.memory_space<semaphore_mem>>) src(%dma_wait3A_657 : memref<4x16xi32, #tpu.memory_space<hbm>>) dst(%arg11 : memref<4x16xi32, #tpu.memory_space<vmem>>)
      tpu.yield
    }) : () -> ()
    %get3A_39 = arith.constant 0 : i32
    %get3A_40 = arith.index_cast %get3A_39 : i32 to index
    %get3A_41 = arith.constant 0 : index
    %get3A_42 = tpu.vector_load %arg10[%get3A_40, %get3A_41] {strides = array<i32>} : memref<4x16xi32, #tpu.memory_space<vmem>>, vector<1x16xi32>,
    %get3A_43 = vector.shape_cast %get3A_42 : vector<1x16xi32> to vector<16xi32>
    %broadcast_in_dim3A = arith.constant 0 : i32
    %broadcast_in_dim3A_44 = vector.broadcast %broadcast_in_dim3A : i32 to vector<16xi32>
    %eq3A = arith.constant 0 : i32
    %eq3A_45 = vector.broadcast %eq3A : i32 to vector<16xi32>
    %eq3A_46 = arith.cmpi eq, %get3A_43, %eq3A_45 : vector<16xi32>
    %broadcast_in_dim3A_47 = arith.constant 0 : i32
    %broadcast_in_dim3A_48 = vector.broadcast %broadcast_in_dim3A_47 : i32 to vector<16xi32>
    %jit3A = arith.constant 0 : i32
    %broadcast_in_dim3A_49 = vector.broadcast %jit3A : i32 to vector<16xi32>
    %select_n3A = arith.select %eq3A_46, %broadcast_in_dim3A_48, %broadcast_in_dim3A_49 : vector<16xi1>, vector<16xi32>
    %add3A_50 = arith.addi %broadcast_in_dim3A_44, %select_n3A : vector<16xi32>
    %eq3A_51 = arith.constant 1 : i32
    %eq3A_52 = vector.broadcast %eq3A_51 : i32 to vector<16xi32>
    %eq3A_53 = arith.cmpi eq, %get3A_43, %eq3A_52 : vector<16xi32>
    %broadcast_in_dim3A_54 = vector.broadcast %add3A_13 : i32 to vector<16xi32>
    %jit3A_55 = arith.constant 0 : i32
    %broadcast_in_dim3A_56 = vector.broadcast %jit3A_55 : i32 to vector<16xi32>
    %select_n3A_57 = arith.select %eq3A_53, %broadcast_in_dim3A_54, %broadcast_in_dim3A_56 : vector<16xi1>, vector<16xi32>
    %add3A_58 = arith.addi %add3A_50, %select_n3A_57 : vector<16xi32>
    %eq3A_59 = arith.constant 2 : i32
    %eq3A_60 = vector.broadcast %eq3A_59 : i32 to vector<16xi32>
    %eq3A_61 = arith.cmpi eq, %get3A_43, %eq3A_60 : vector<16xi32>
    %broadcast_in_dim3A_62 = vector.broadcast %add3A_16 : i32 to vector<16xi32>
    %jit3A_63 = arith.constant 0 : i32
    %broadcast_in_dim3A_64 = vector.broadcast %jit3A_63 : i32 to vector<16xi32>
    %select_n3A_65 = arith.select %eq3A_61, %broadcast_in_dim3A_62, %broadcast_in_dim3A_64 : vector<16xi1>, vector<16xi32>
    %add3A_66 = arith.addi %add3A_58, %select_n3A_65 : vector<16xi32>
    %eq3A_67 = arith.constant 3 : i32
    %eq3A_68 = vector.broadcast %eq3A_67 : i32 to vector<16xi32>
    %eq3A_69 = arith.cmpi eq, %get3A_43, %eq3A_68 : vector<16xi32>
    %broadcast_in_dim3A_70 = vector.broadcast %add3A_19 : i32 to vector<16xi32>
    %jit3A_71 = arith.constant 0 : i32
    %broadcast_in_dim3A_72 = vector.broadcast %jit3A_71 : i32 to vector<16xi32>
    %select_n3A_73 = arith.select %eq3A_69, %broadcast_in_dim3A_70, %broadcast_in_dim3A_72 : vector<16xi1>, vector<16xi32>
    %add3A_74 = arith.addi %add3A_66, %select_n3A_73 : vector<16xi32>
    %eq3A_75 = arith.constant 4 : i32
    %eq3A_76 = vector.broadcast %eq3A_75 : i32 to vector<16xi32>
    %eq3A_77 = arith.cmpi eq, %get3A_43, %eq3A_76 : vector<16xi32>
    %broadcast_in_dim3A_78 = vector.broadcast %add3A_22 : i32 to vector<16xi32>
    %jit3A_79 = arith.constant 0 : i32
    %broadcast_in_dim3A_80 = vector.broadcast %jit3A_79 : i32 to vector<16xi32>
    %select_n3A_81 = arith.select %eq3A_77, %broadcast_in_dim3A_78, %broadcast_in_dim3A_80 : vector<16xi1>, vector<16xi32>
    %add3A_82 = arith.addi %add3A_74, %select_n3A_81 : vector<16xi32>
    %eq3A_83 = arith.constant 5 : i32
    %eq3A_84 = vector.broadcast %eq3A_83 : i32 to vector<16xi32>
    %eq3A_85 = arith.cmpi eq, %get3A_43, %eq3A_84 : vector<16xi32>
    %broadcast_in_dim3A_86 = vector.broadcast %add3A_25 : i32 to vector<16xi32>
    %jit3A_87 = arith.constant 0 : i32
    %broadcast_in_dim3A_88 = vector.broadcast %jit3A_87 : i32 to vector<16xi32>
    %select_n3A_89 = arith.select %eq3A_85, %broadcast_in_dim3A_86, %broadcast_in_dim3A_88 : vector<16xi1>, vector<16xi32>
    %add3A_90 = arith.addi %add3A_82, %select_n3A_89 : vector<16xi32>
    %eq3A_91 = arith.constant 6 : i32
    %eq3A_92 = vector.broadcast %eq3A_91 : i32 to vector<16xi32>
    %eq3A_93 = arith.cmpi eq, %get3A_43, %eq3A_92 : vector<16xi32>
    %broadcast_in_dim3A_94 = vector.broadcast %add3A_28 : i32 to vector<16xi32>
    %jit3A_95 = arith.constant 0 : i32
    %broadcast_in_dim3A_96 = vector.broadcast %jit3A_95 : i32 to vector<16xi32>
    %select_n3A_97 = arith.select %eq3A_93, %broadcast_in_dim3A_94, %broadcast_in_dim3A_96 : vector<16xi1>, vector<16xi32>
    %add3A_98 = arith.addi %add3A_90, %select_n3A_97 : vector<16xi32>
    %eq3A_99 = arith.constant 7 : i32
    %eq3A_100 = vector.broadcast %eq3A_99 : i32 to vector<16xi32>
    %eq3A_101 = arith.cmpi eq, %get3A_43, %eq3A_100 : vector<16xi32>
    %broadcast_in_dim3A_102 = vector.broadcast %add3A_31 : i32 to vector<16xi32>
    %jit3A_103 = arith.constant 0 : i32
    %broadcast_in_dim3A_104 = vector.broadcast %jit3A_103 : i32 to vector<16xi32>
    %select_n3A_105 = arith.select %eq3A_101, %broadcast_in_dim3A_102, %broadcast_in_dim3A_104 : vector<16xi1>, vector<16xi32>
    %add3A_106 = arith.addi %add3A_98, %select_n3A_105 : vector<16xi32>
    %get3A_107 = arith.constant 0 : i32
    %get3A_108 = arith.index_cast %get3A_107 : i32 to index
    %get3A_109 = arith.constant 0 : index
    %get3A_110 = tpu.vector_load %arg11[%get3A_108, %get3A_109] {strides = array<i32>} : memref<4x16xi32, #tpu.memory_space<vmem>>, vector<1x16xi32>,
    %get3A_111 = vector.shape_cast %get3A_110 : vector<1x16xi32> to vector<16xi32>
    %add3A_112 = arith.addi %add3A_106, %get3A_111 : vector<16xi32>
    %swap3A = arith.constant 0 : i32
    %swap3A_113 = arith.index_cast %swap3A : i32 to index
    %swap3A_114 = arith.constant 0 : index
    %swap3A_115 = tpu.vector_load %arg12[%swap3A_113, %swap3A_114] {strides = array<i32>} : memref<4x16xi32, #tpu.memory_space<vmem>>, vector<1x16xi32>,
    %swap3A_116 = vector.shape_cast %swap3A_115 : vector<1x16xi32> to vector<16xi32>
    %swap3A_117 = vector.shape_cast %add3A_112 : vector<16xi32> to vector<1x16xi32>
    tpu.vector_store %arg12[%swap3A_113, %swap3A_114], %swap3A_117 {strides = array<i32>} : memref<4x16xi32, #tpu.memory_space<vmem>>, vector<1x16xi32>,
    %get3A_118 = arith.constant 1 : i32
    %get3A_119 = arith.index_cast %get3A_118 : i32 to index
    %get3A_120 = arith.constant 0 : index
    %get3A_121 = tpu.vector_load %arg10[%get3A_119, %get3A_120] {strides = array<i32>} : memref<4x16xi32, #tpu.memory_space<vmem>>, vector<1x16xi32>,
    %get3A_122 = vector.shape_cast %get3A_121 : vector<1x16xi32> to vector<16xi32>
    %broadcast_in_dim3A_123 = arith.constant 0 : i32
    %broadcast_in_dim3A_124 = vector.broadcast %broadcast_in_dim3A_123 : i32 to vector<16xi32>
    %eq3A_125 = arith.constant 0 : i32
    %eq3A_126 = vector.broadcast %eq3A_125 : i32 to vector<16xi32>
    %eq3A_127 = arith.cmpi eq, %get3A_122, %eq3A_126 : vector<16xi32>
    %broadcast_in_dim3A_128 = arith.constant 0 : i32
    %broadcast_in_dim3A_129 = vector.broadcast %broadcast_in_dim3A_128 : i32 to vector<16xi32>
    %jit3A_130 = arith.constant 0 : i32
    %broadcast_in_dim3A_131 = vector.broadcast %jit3A_130 : i32 to vector<16xi32>
    %select_n3A_132 = arith.select %eq3A_127, %broadcast_in_dim3A_129, %broadcast_in_dim3A_131 : vector<16xi1>, vector<16xi32>
    %add3A_133 = arith.addi %broadcast_in_dim3A_124, %select_n3A_132 : vector<16xi32>
    %eq3A_134 = arith.constant 1 : i32
    %eq3A_135 = vector.broadcast %eq3A_134 : i32 to vector<16xi32>
    %eq3A_136 = arith.cmpi eq, %get3A_122, %eq3A_135 : vector<16xi32>
    %broadcast_in_dim3A_137 = vector.broadcast %add3A_13 : i32 to vector<16xi32>
    %jit3A_138 = arith.constant 0 : i32
    %broadcast_in_dim3A_139 = vector.broadcast %jit3A_138 : i32 to vector<16xi32>
    %select_n3A_140 = arith.select %eq3A_136, %broadcast_in_dim3A_137, %broadcast_in_dim3A_139 : vector<16xi1>, vector<16xi32>
    %add3A_141 = arith.addi %add3A_133, %select_n3A_140 : vector<16xi32>
    %eq3A_142 = arith.constant 2 : i32
    %eq3A_143 = vector.broadcast %eq3A_142 : i32 to vector<16xi32>
    %eq3A_144 = arith.cmpi eq, %get3A_122, %eq3A_143 : vector<16xi32>
    %broadcast_in_dim3A_145 = vector.broadcast %add3A_16 : i32 to vector<16xi32>
    %jit3A_146 = arith.constant 0 : i32
    %broadcast_in_dim3A_147 = vector.broadcast %jit3A_146 : i32 to vector<16xi32>
    %select_n3A_148 = arith.select %eq3A_144, %broadcast_in_dim3A_145, %broadcast_in_dim3A_147 : vector<16xi1>, vector<16xi32>
    %add3A_149 = arith.addi %add3A_141, %select_n3A_148 : vector<16xi32>
    %eq3A_150 = arith.constant 3 : i32
    %eq3A_151 = vector.broadcast %eq3A_150 : i32 to vector<16xi32>
    %eq3A_152 = arith.cmpi eq, %get3A_122, %eq3A_151 : vector<16xi32>
    %broadcast_in_dim3A_153 = vector.broadcast %add3A_19 : i32 to vector<16xi32>
    %jit3A_154 = arith.constant 0 : i32
    %broadcast_in_dim3A_155 = vector.broadcast %jit3A_154 : i32 to vector<16xi32>
    %select_n3A_156 = arith.select %eq3A_152, %broadcast_in_dim3A_153, %broadcast_in_dim3A_155 : vector<16xi1>, vector<16xi32>
    %add3A_157 = arith.addi %add3A_149, %select_n3A_156 : vector<16xi32>
    %eq3A_158 = arith.constant 4 : i32
    %eq3A_159 = vector.broadcast %eq3A_158 : i32 to vector<16xi32>
    %eq3A_160 = arith.cmpi eq, %get3A_122, %eq3A_159 : vector<16xi32>
    %broadcast_in_dim3A_161 = vector.broadcast %add3A_22 : i32 to vector<16xi32>
    %jit3A_162 = arith.constant 0 : i32
    %broadcast_in_dim3A_163 = vector.broadcast %jit3A_162 : i32 to vector<16xi32>
    %select_n3A_164 = arith.select %eq3A_160, %broadcast_in_dim3A_161, %broadcast_in_dim3A_163 : vector<16xi1>, vector<16xi32>
    %add3A_165 = arith.addi %add3A_157, %select_n3A_164 : vector<16xi32>
    %eq3A_166 = arith.constant 5 : i32
    %eq3A_167 = vector.broadcast %eq3A_166 : i32 to vector<16xi32>
    %eq3A_168 = arith.cmpi eq, %get3A_122, %eq3A_167 : vector<16xi32>
    %broadcast_in_dim3A_169 = vector.broadcast %add3A_25 : i32 to vector<16xi32>
    %jit3A_170 = arith.constant 0 : i32
    %broadcast_in_dim3A_171 = vector.broadcast %jit3A_170 : i32 to vector<16xi32>
    %select_n3A_172 = arith.select %eq3A_168, %broadcast_in_dim3A_169, %broadcast_in_dim3A_171 : vector<16xi1>, vector<16xi32>
    %add3A_173 = arith.addi %add3A_165, %select_n3A_172 : vector<16xi32>
    %eq3A_174 = arith.constant 6 : i32
    %eq3A_175 = vector.broadcast %eq3A_174 : i32 to vector<16xi32>
    %eq3A_176 = arith.cmpi eq, %get3A_122, %eq3A_175 : vector<16xi32>
    %broadcast_in_dim3A_177 = vector.broadcast %add3A_28 : i32 to vector<16xi32>
    %jit3A_178 = arith.constant 0 : i32
    %broadcast_in_dim3A_179 = vector.broadcast %jit3A_178 : i32 to vector<16xi32>
    %select_n3A_180 = arith.select %eq3A_176, %broadcast_in_dim3A_177, %broadcast_in_dim3A_179 : vector<16xi1>, vector<16xi32>
    %add3A_181 = arith.addi %add3A_173, %select_n3A_180 : vector<16xi32>
    %eq3A_182 = arith.constant 7 : i32
    %eq3A_183 = vector.broadcast %eq3A_182 : i32 to vector<16xi32>
    %eq3A_184 = arith.cmpi eq, %get3A_122, %eq3A_183 : vector<16xi32>
    %broadcast_in_dim3A_185 = vector.broadcast %add3A_31 : i32 to vector<16xi32>
    %jit3A_186 = arith.constant 0 : i32
    %broadcast_in_dim3A_187 = vector.broadcast %jit3A_186 : i32 to vector<16xi32>
    %select_n3A_188 = arith.select %eq3A_184, %broadcast_in_dim3A_185, %broadcast_in_dim3A_187 : vector<16xi1>, vector<16xi32>
    %add3A_189 = arith.addi %add3A_181, %select_n3A_188 : vector<16xi32>
    %get3A_190 = arith.constant 1 : i32
    %get3A_191 = arith.index_cast %get3A_190 : i32 to index
    %get3A_192 = arith.constant 0 : index
    %get3A_193 = tpu.vector_load %arg11[%get3A_191, %get3A_192] {strides = array<i32>} : memref<4x16xi32, #tpu.memory_space<vmem>>, vector<1x16xi32>,
    %get3A_194 = vector.shape_cast %get3A_193 : vector<1x16xi32> to vector<16xi32>
    %add3A_195 = arith.addi %add3A_189, %get3A_194 : vector<16xi32>
    %swap3A_196 = arith.constant 1 : i32
    %swap3A_197 = arith.index_cast %swap3A_196 : i32 to index
    %swap3A_198 = arith.constant 0 : index
    %swap3A_199 = tpu.vector_load %arg12[%swap3A_197, %swap3A_198] {strides = array<i32>} : memref<4x16xi32, #tpu.memory_space<vmem>>, vector<1x16xi32>,
    %swap3A_200 = vector.shape_cast %swap3A_199 : vector<1x16xi32> to vector<16xi32>
    %swap3A_201 = vector.shape_cast %add3A_195 : vector<16xi32> to vector<1x16xi32>
    tpu.vector_store %arg12[%swap3A_197, %swap3A_198], %swap3A_201 {strides = array<i32>} : memref<4x16xi32, #tpu.memory_space<vmem>>, vector<1x16xi32>,
    %get3A_202 = arith.constant 2 : i32
    %get3A_203 = arith.index_cast %get3A_202 : i32 to index
    %get3A_204 = arith.constant 0 : index
    %get3A_205 = tpu.vector_load %arg10[%get3A_203, %get3A_204] {strides = array<i32>} : memref<4x16xi32, #tpu.memory_space<vmem>>, vector<1x16xi32>,
    %get3A_206 = vector.shape_cast %get3A_205 : vector<1x16xi32> to vector<16xi32>
    %broadcast_in_dim3A_207 = arith.constant 0 : i32
    %broadcast_in_dim3A_208 = vector.broadcast %broadcast_in_dim3A_207 : i32 to vector<16xi32>
    %eq3A_209 = arith.constant 0 : i32
    %eq3A_210 = vector.broadcast %eq3A_209 : i32 to vector<16xi32>
    %eq3A_211 = arith.cmpi eq, %get3A_206, %eq3A_210 : vector<16xi32>
    %broadcast_in_dim3A_212 = arith.constant 0 : i32
    %broadcast_in_dim3A_213 = vector.broadcast %broadcast_in_dim3A_212 : i32 to vector<16xi32>
    %jit3A_214 = arith.constant 0 : i32
    %broadcast_in_dim3A_215 = vector.broadcast %jit3A_214 : i32 to vector<16xi32>
    %select_n3A_216 = arith.select %eq3A_211, %broadcast_in_dim3A_213, %broadcast_in_dim3A_215 : vector<16xi1>, vector<16xi32>
    %add3A_217 = arith.addi %broadcast_in_dim3A_208, %select_n3A_216 : vector<16xi32>
    %eq3A_218 = arith.constant 1 : i32
    %eq3A_219 = vector.broadcast %eq3A_218 : i32 to vector<16xi32>
    %eq3A_220 = arith.cmpi eq, %get3A_206, %eq3A_219 : vector<16xi32>
    %broadcast_in_dim3A_221 = vector.broadcast %add3A_13 : i32 to vector<16xi32>
    %jit3A_222 = arith.constant 0 : i32
    %broadcast_in_dim3A_223 = vector.broadcast %jit3A_222 : i32 to vector<16xi32>
    %select_n3A_224 = arith.select %eq3A_220, %broadcast_in_dim3A_221, %broadcast_in_dim3A_223 : vector<16xi1>, vector<16xi32>
    %add3A_225 = arith.addi %add3A_217, %select_n3A_224 : vector<16xi32>
    %eq3A_226 = arith.constant 2 : i32
    %eq3A_227 = vector.broadcast %eq3A_226 : i32 to vector<16xi32>
    %eq3A_228 = arith.cmpi eq, %get3A_206, %eq3A_227 : vector<16xi32>
    %broadcast_in_dim3A_229 = vector.broadcast %add3A_16 : i32 to vector<16xi32>
    %jit3A_230 = arith.constant 0 : i32
    %broadcast_in_dim3A_231 = vector.broadcast %jit3A_230 : i32 to vector<16xi32>
    %select_n3A_232 = arith.select %eq3A_228, %broadcast_in_dim3A_229, %broadcast_in_dim3A_231 : vector<16xi1>, vector<16xi32>
    %add3A_233 = arith.addi %add3A_225, %select_n3A_232 : vector<16xi32>
    %eq3A_234 = arith.constant 3 : i32
    %eq3A_235 = vector.broadcast %eq3A_234 : i32 to vector<16xi32>
    %eq3A_236 = arith.cmpi eq, %get3A_206, %eq3A_235 : vector<16xi32>
    %broadcast_in_dim3A_237 = vector.broadcast %add3A_19 : i32 to vector<16xi32>
    %jit3A_238 = arith.constant 0 : i32
    %broadcast_in_dim3A_239 = vector.broadcast %jit3A_238 : i32 to vector<16xi32>
    %select_n3A_240 = arith.select %eq3A_236, %broadcast_in_dim3A_237, %broadcast_in_dim3A_239 : vector<16xi1>, vector<16xi32>
    %add3A_241 = arith.addi %add3A_233, %select_n3A_240 : vector<16xi32>
    %eq3A_242 = arith.constant 4 : i32
    %eq3A_243 = vector.broadcast %eq3A_242 : i32 to vector<16xi32>
    %eq3A_244 = arith.cmpi eq, %get3A_206, %eq3A_243 : vector<16xi32>
    %broadcast_in_dim3A_245 = vector.broadcast %add3A_22 : i32 to vector<16xi32>
    %jit3A_246 = arith.constant 0 : i32
    %broadcast_in_dim3A_247 = vector.broadcast %jit3A_246 : i32 to vector<16xi32>
    %select_n3A_248 = arith.select %eq3A_244, %broadcast_in_dim3A_245, %broadcast_in_dim3A_247 : vector<16xi1>, vector<16xi32>
    %add3A_249 = arith.addi %add3A_241, %select_n3A_248 : vector<16xi32>
    %eq3A_250 = arith.constant 5 : i32
    %eq3A_251 = vector.broadcast %eq3A_250 : i32 to vector<16xi32>
    %eq3A_252 = arith.cmpi eq, %get3A_206, %eq3A_251 : vector<16xi32>
    %broadcast_in_dim3A_253 = vector.broadcast %add3A_25 : i32 to vector<16xi32>
    %jit3A_254 = arith.constant 0 : i32
    %broadcast_in_dim3A_255 = vector.broadcast %jit3A_254 : i32 to vector<16xi32>
    %select_n3A_256 = arith.select %eq3A_252, %broadcast_in_dim3A_253, %broadcast_in_dim3A_255 : vector<16xi1>, vector<16xi32>
    %add3A_257 = arith.addi %add3A_249, %select_n3A_256 : vector<16xi32>
    %eq3A_258 = arith.constant 6 : i32
    %eq3A_259 = vector.broadcast %eq3A_258 : i32 to vector<16xi32>
    %eq3A_260 = arith.cmpi eq, %get3A_206, %eq3A_259 : vector<16xi32>
    %broadcast_in_dim3A_261 = vector.broadcast %add3A_28 : i32 to vector<16xi32>
    %jit3A_262 = arith.constant 0 : i32
    %broadcast_in_dim3A_263 = vector.broadcast %jit3A_262 : i32 to vector<16xi32>
    %select_n3A_264 = arith.select %eq3A_260, %broadcast_in_dim3A_261, %broadcast_in_dim3A_263 : vector<16xi1>, vector<16xi32>
    %add3A_265 = arith.addi %add3A_257, %select_n3A_264 : vector<16xi32>
    %eq3A_266 = arith.constant 7 : i32
    %eq3A_267 = vector.broadcast %eq3A_266 : i32 to vector<16xi32>
    %eq3A_268 = arith.cmpi eq, %get3A_206, %eq3A_267 : vector<16xi32>
    %broadcast_in_dim3A_269 = vector.broadcast %add3A_31 : i32 to vector<16xi32>
    %jit3A_270 = arith.constant 0 : i32
    %broadcast_in_dim3A_271 = vector.broadcast %jit3A_270 : i32 to vector<16xi32>
    %select_n3A_272 = arith.select %eq3A_268, %broadcast_in_dim3A_269, %broadcast_in_dim3A_271 : vector<16xi1>, vector<16xi32>
    %add3A_273 = arith.addi %add3A_265, %select_n3A_272 : vector<16xi32>
    %get3A_274 = arith.constant 2 : i32
    %get3A_275 = arith.index_cast %get3A_274 : i32 to index
    %get3A_276 = arith.constant 0 : index
    %get3A_277 = tpu.vector_load %arg11[%get3A_275, %get3A_276] {strides = array<i32>} : memref<4x16xi32, #tpu.memory_space<vmem>>, vector<1x16xi32>,
    %get3A_278 = vector.shape_cast %get3A_277 : vector<1x16xi32> to vector<16xi32>
    %add3A_279 = arith.addi %add3A_273, %get3A_278 : vector<16xi32>
    %swap3A_280 = arith.constant 2 : i32
    %swap3A_281 = arith.index_cast %swap3A_280 : i32 to index
    %swap3A_282 = arith.constant 0 : index
    %swap3A_283 = tpu.vector_load %arg12[%swap3A_281, %swap3A_282] {strides = array<i32>} : memref<4x16xi32, #tpu.memory_space<vmem>>, vector<1x16xi32>,
    %swap3A_284 = vector.shape_cast %swap3A_283 : vector<1x16xi32> to vector<16xi32>
    %swap3A_285 = vector.shape_cast %add3A_279 : vector<16xi32> to vector<1x16xi32>
    tpu.vector_store %arg12[%swap3A_281, %swap3A_282], %swap3A_285 {strides = array<i32>} : memref<4x16xi32, #tpu.memory_space<vmem>>, vector<1x16xi32>,
    %get3A_286 = arith.constant 3 : i32
    %get3A_287 = arith.index_cast %get3A_286 : i32 to index
    %get3A_288 = arith.constant 0 : index
    %get3A_289 = tpu.vector_load %arg10[%get3A_287, %get3A_288] {strides = array<i32>} : memref<4x16xi32, #tpu.memory_space<vmem>>, vector<1x16xi32>,
    %get3A_290 = vector.shape_cast %get3A_289 : vector<1x16xi32> to vector<16xi32>
    %broadcast_in_dim3A_291 = arith.constant 0 : i32
    %broadcast_in_dim3A_292 = vector.broadcast %broadcast_in_dim3A_291 : i32 to vector<16xi32>
    %eq3A_293 = arith.constant 0 : i32
    %eq3A_294 = vector.broadcast %eq3A_293 : i32 to vector<16xi32>
    %eq3A_295 = arith.cmpi eq, %get3A_290, %eq3A_294 : vector<16xi32>
    %broadcast_in_dim3A_296 = arith.constant 0 : i32
    %broadcast_in_dim3A_297 = vector.broadcast %broadcast_in_dim3A_296 : i32 to vector<16xi32>
    %jit3A_298 = arith.constant 0 : i32
    %broadcast_in_dim3A_299 = vector.broadcast %jit3A_298 : i32 to vector<16xi32>
    %select_n3A_300 = arith.select %eq3A_295, %broadcast_in_dim3A_297, %broadcast_in_dim3A_299 : vector<16xi1>, vector<16xi32>
    %add3A_301 = arith.addi %broadcast_in_dim3A_292, %select_n3A_300 : vector<16xi32>
    %eq3A_302 = arith.constant 1 : i32
    %eq3A_303 = vector.broadcast %eq3A_302 : i32 to vector<16xi32>
    %eq3A_304 = arith.cmpi eq, %get3A_290, %eq3A_303 : vector<16xi32>
    %broadcast_in_dim3A_305 = vector.broadcast %add3A_13 : i32 to vector<16xi32>
    %jit3A_306 = arith.constant 0 : i32
    %broadcast_in_dim3A_307 = vector.broadcast %jit3A_306 : i32 to vector<16xi32>
    %select_n3A_308 = arith.select %eq3A_304, %broadcast_in_dim3A_305, %broadcast_in_dim3A_307 : vector<16xi1>, vector<16xi32>
    %add3A_309 = arith.addi %add3A_301, %select_n3A_308 : vector<16xi32>
    %eq3A_310 = arith.constant 2 : i32
    %eq3A_311 = vector.broadcast %eq3A_310 : i32 to vector<16xi32>
    %eq3A_312 = arith.cmpi eq, %get3A_290, %eq3A_311 : vector<16xi32>
    %broadcast_in_dim3A_313 = vector.broadcast %add3A_16 : i32 to vector<16xi32>
    %jit3A_314 = arith.constant 0 : i32
    %broadcast_in_dim3A_315 = vector.broadcast %jit3A_314 : i32 to vector<16xi32>
    %select_n3A_316 = arith.select %eq3A_312, %broadcast_in_dim3A_313, %broadcast_in_dim3A_315 : vector<16xi1>, vector<16xi32>
    %add3A_317 = arith.addi %add3A_309, %select_n3A_316 : vector<16xi32>
    %eq3A_318 = arith.constant 3 : i32
    %eq3A_319 = vector.broadcast %eq3A_318 : i32 to vector<16xi32>
    %eq3A_320 = arith.cmpi eq, %get3A_290, %eq3A_319 : vector<16xi32>
    %broadcast_in_dim3A_321 = vector.broadcast %add3A_19 : i32 to vector<16xi32>
    %jit3A_322 = arith.constant 0 : i32
    %broadcast_in_dim3A_323 = vector.broadcast %jit3A_322 : i32 to vector<16xi32>
    %select_n3A_324 = arith.select %eq3A_320, %broadcast_in_dim3A_321, %broadcast_in_dim3A_323 : vector<16xi1>, vector<16xi32>
    %add3A_325 = arith.addi %add3A_317, %select_n3A_324 : vector<16xi32>
    %eq3A_326 = arith.constant 4 : i32
    %eq3A_327 = vector.broadcast %eq3A_326 : i32 to vector<16xi32>
    %eq3A_328 = arith.cmpi eq, %get3A_290, %eq3A_327 : vector<16xi32>
    %broadcast_in_dim3A_329 = vector.broadcast %add3A_22 : i32 to vector<16xi32>
    %jit3A_330 = arith.constant 0 : i32
    %broadcast_in_dim3A_331 = vector.broadcast %jit3A_330 : i32 to vector<16xi32>
    %select_n3A_332 = arith.select %eq3A_328, %broadcast_in_dim3A_329, %broadcast_in_dim3A_331 : vector<16xi1>, vector<16xi32>
    %add3A_333 = arith.addi %add3A_325, %select_n3A_332 : vector<16xi32>
    %eq3A_334 = arith.constant 5 : i32
    %eq3A_335 = vector.broadcast %eq3A_334 : i32 to vector<16xi32>
    %eq3A_336 = arith.cmpi eq, %get3A_290, %eq3A_335 : vector<16xi32>
    %broadcast_in_dim3A_337 = vector.broadcast %add3A_25 : i32 to vector<16xi32>
    %jit3A_338 = arith.constant 0 : i32
    %broadcast_in_dim3A_339 = vector.broadcast %jit3A_338 : i32 to vector<16xi32>
    %select_n3A_340 = arith.select %eq3A_336, %broadcast_in_dim3A_337, %broadcast_in_dim3A_339 : vector<16xi1>, vector<16xi32>
    %add3A_341 = arith.addi %add3A_333, %select_n3A_340 : vector<16xi32>
    %eq3A_342 = arith.constant 6 : i32
    %eq3A_343 = vector.broadcast %eq3A_342 : i32 to vector<16xi32>
    %eq3A_344 = arith.cmpi eq, %get3A_290, %eq3A_343 : vector<16xi32>
    %broadcast_in_dim3A_345 = vector.broadcast %add3A_28 : i32 to vector<16xi32>
    %jit3A_346 = arith.constant 0 : i32
    %broadcast_in_dim3A_347 = vector.broadcast %jit3A_346 : i32 to vector<16xi32>
    %select_n3A_348 = arith.select %eq3A_344, %broadcast_in_dim3A_345, %broadcast_in_dim3A_347 : vector<16xi1>, vector<16xi32>
    %add3A_349 = arith.addi %add3A_341, %select_n3A_348 : vector<16xi32>
    %eq3A_350 = arith.constant 7 : i32
    %eq3A_351 = vector.broadcast %eq3A_350 : i32 to vector<16xi32>
    %eq3A_352 = arith.cmpi eq, %get3A_290, %eq3A_351 : vector<16xi32>
    %broadcast_in_dim3A_353 = vector.broadcast %add3A_31 : i32 to vector<16xi32>
    %jit3A_354 = arith.constant 0 : i32
    %broadcast_in_dim3A_355 = vector.broadcast %jit3A_354 : i32 to vector<16xi32>
    %select_n3A_356 = arith.select %eq3A_352, %broadcast_in_dim3A_353, %broadcast_in_dim3A_355 : vector<16xi1>, vector<16xi32>
    %add3A_357 = arith.addi %add3A_349, %select_n3A_356 : vector<16xi32>
    %get3A_358 = arith.constant 3 : i32
    %get3A_359 = arith.index_cast %get3A_358 : i32 to index
    %get3A_360 = arith.constant 0 : index
    %get3A_361 = tpu.vector_load %arg11[%get3A_359, %get3A_360] {strides = array<i32>} : memref<4x16xi32, #tpu.memory_space<vmem>>, vector<1x16xi32>,
    %get3A_362 = vector.shape_cast %get3A_361 : vector<1x16xi32> to vector<16xi32>
    %add3A_363 = arith.addi %add3A_357, %get3A_362 : vector<16xi32>
    %swap3A_364 = arith.constant 3 : i32
    %swap3A_365 = arith.index_cast %swap3A_364 : i32 to index
    %swap3A_366 = arith.constant 0 : index
    %swap3A_367 = tpu.vector_load %arg12[%swap3A_365, %swap3A_366] {strides = array<i32>} : memref<4x16xi32, #tpu.memory_space<vmem>>, vector<1x16xi32>,
    %swap3A_368 = vector.shape_cast %swap3A_367 : vector<1x16xi32> to vector<16xi32>
    %swap3A_369 = vector.shape_cast %add3A_363 : vector<16xi32> to vector<1x16xi32>
    tpu.vector_store %arg12[%swap3A_365, %swap3A_366], %swap3A_369 {strides = array<i32>} : memref<4x16xi32, #tpu.memory_space<vmem>>, vector<1x16xi32>,
    %mul3A_370 = arith.constant 4 : i32
    %mul3A_371 = arith.muli %add3A, %mul3A_370 : i32
    "tpu.region"() ({
      %run_scoped3A = tpu.sem_alloc : memref<!tpu.dma_semaphore, #tpu.memory_space<semaphore_mem>>
      %dma_start3A_650 = arith.constant 0 : i32
      %dma_start3A_651 = tpu.memref_slice %arg6[%mul3A_371, %dma_start3A_650] : memref<128x16xi32, #tpu.memory_space<hbm>> -> memref<4x16xi32, #tpu.memory_space<hbm>>
      %dma_start3A_652 = arith.constant 0 : i32
      %dma_start3A_653 = tpu.memref_slice %arg6[%mul3A_371, %dma_start3A_652] : memref<128x16xi32, #tpu.memory_space<hbm>> -> memref<4x16xi32, #tpu.memory_space<hbm>>
      tpu.enqueue_dma source(%arg12 : memref<4x16xi32, #tpu.memory_space<vmem>>) target(%dma_start3A_653 : memref<4x16xi32, #tpu.memory_space<hbm>>) target_semaphore(%run_scoped3A : memref<!tpu.dma_semaphore, #tpu.memory_space<semaphore_mem>>)
      %dma_wait3A_654 = arith.constant 0 : i32
      %dma_wait3A_655 = tpu.memref_slice %arg6[%mul3A_371, %dma_wait3A_654] : memref<128x16xi32, #tpu.memory_space<hbm>> -> memref<4x16xi32, #tpu.memory_space<hbm>>
      %dma_wait3A_656 = arith.constant 0 : i32
      %dma_wait3A_657 = tpu.memref_slice %arg6[%mul3A_371, %dma_wait3A_656] : memref<128x16xi32, #tpu.memory_space<hbm>> -> memref<4x16xi32, #tpu.memory_space<hbm>>
      tpu.wait_dma2 semaphore(%run_scoped3A : memref<!tpu.dma_semaphore, #tpu.memory_space<semaphore_mem>>) src(%arg12 : memref<4x16xi32, #tpu.memory_space<vmem>>) dst(%dma_wait3A_657 : memref<4x16xi32, #tpu.memory_space<hbm>>)
      tpu.yield
    }) : () -> ()
    %mul3A_372 = arith.constant 64 : i32
    %mul3A_373 = arith.muli %add3A, %mul3A_372 : i32
    %add3A_374 = arith.constant 0 : i32
    %add3A_375 = arith.addi %mul3A_373, %add3A_374 : i32
    %dma_start3A = arith.constant 0 : i32
    %dma_start3A_376 = arith.constant 0 : i32
    %dma_start3A_377 = tpu.memref_slice %arg5[%add3A_375, %dma_start3A, %dma_start3A_376] : memref<2048x16x128xf32, #tpu.memory_space<hbm>> -> memref<16x16x128xf32, #tpu.memory_space<hbm>>
    %dma_start3A_378 = arith.constant 0 : i32
    %dma_start3A_379 = arith.constant 0 : i32
    %dma_start3A_380 = tpu.memref_slice %arg5[%add3A_375, %dma_start3A_378, %dma_start3A_379] : memref<2048x16x128xf32, #tpu.memory_space<hbm>> -> memref<16x16x128xf32, #tpu.memory_space<hbm>>
    tpu.enqueue_dma source(%dma_start3A_380 : memref<16x16x128xf32, #tpu.memory_space<hbm>>) target(%arg14 : memref<16x16x128xf32, #tpu.memory_space<vmem>>) target_semaphore(%arg16 : memref<!tpu.dma_semaphore, #tpu.memory_space<semaphore_mem>>)
    %mul3A_381 = arith.constant 64 : i32
    %mul3A_382 = arith.muli %add3A, %mul3A_381 : i32
    %add3A_383 = arith.constant 16 : i32
    %add3A_384 = arith.addi %mul3A_382, %add3A_383 : i32
    %dma_start3A_385 = arith.constant 0 : i32
    %dma_start3A_386 = arith.constant 0 : i32
    %dma_start3A_387 = tpu.memref_slice %arg5[%add3A_384, %dma_start3A_385, %dma_start3A_386] : memref<2048x16x128xf32, #tpu.memory_space<hbm>> -> memref<16x16x128xf32, #tpu.memory_space<hbm>>
    %dma_start3A_388 = arith.constant 0 : i32
    %dma_start3A_389 = arith.constant 0 : i32
    %dma_start3A_390 = tpu.memref_slice %arg5[%add3A_384, %dma_start3A_388, %dma_start3A_389] : memref<2048x16x128xf32, #tpu.memory_space<hbm>> -> memref<16x16x128xf32, #tpu.memory_space<hbm>>
    tpu.enqueue_dma source(%dma_start3A_390 : memref<16x16x128xf32, #tpu.memory_space<hbm>>) target(%arg15 : memref<16x16x128xf32, #tpu.memory_space<vmem>>) target_semaphore(%arg17 : memref<!tpu.dma_semaphore, #tpu.memory_space<semaphore_mem>>)
    %dma_wait3A = arith.constant 0 : i32
    %dma_wait3A_391 = arith.constant 0 : i32
    %dma_wait3A_392 = tpu.memref_slice %arg5[%add3A_375, %dma_wait3A, %dma_wait3A_391] : memref<2048x16x128xf32, #tpu.memory_space<hbm>> -> memref<16x16x128xf32, #tpu.memory_space<hbm>>
    %dma_wait3A_393 = arith.constant 0 : i32
    %dma_wait3A_394 = arith.constant 0 : i32
    %dma_wait3A_395 = tpu.memref_slice %arg5[%add3A_375, %dma_wait3A_393, %dma_wait3A_394] : memref<2048x16x128xf32, #tpu.memory_space<hbm>> -> memref<16x16x128xf32, #tpu.memory_space<hbm>>
    tpu.wait_dma2 semaphore(%arg16 : memref<!tpu.dma_semaphore, #tpu.memory_space<semaphore_mem>>) src(%dma_wait3A_395 : memref<16x16x128xf32, #tpu.memory_space<hbm>>) dst(%arg14 : memref<16x16x128xf32, #tpu.memory_space<vmem>>)
    %dma_start3A_396 = arith.constant 0 : i32
    %dma_start3A_397 = arith.constant 0 : i32
    %dma_start3A_398 = tpu.memref_slice %arg12[%dma_start3A_396, %dma_start3A_397] : memref<4x16xi32, #tpu.memory_space<vmem>> -> memref<1x16xi32, #tpu.memory_space<vmem>>
    %dma_start3A_399 = tpu.memref_squeeze %dma_start3A_398 : memref<1x16xi32, #tpu.memory_space<vmem>> -> memref<16xi32, #tpu.memory_space<vmem>>
    %dma_start3A_400 = arith.constant 0 : i32
    %dma_start3A_401 = arith.constant 0 : i32
    %dma_start3A_402 = arith.constant 0 : i32
    %dma_start3A_403 = tpu.memref_slice %arg7[%dma_start3A_400, %dma_start3A_401, %dma_start3A_402] : memref<3840x16x128xf32, #tpu.memory_space<hbm>> -> memref<3840x16x128xf32, #tpu.memory_space<hbm>>
    tpu.enqueue_indirect_dma source(%arg14 : memref<16x16x128xf32, #tpu.memory_space<vmem>>) target(%dma_start3A_403 : memref<3840x16x128xf32, #tpu.memory_space<hbm>>) offsets(%dma_start3A_399 : memref<16xi32, #tpu.memory_space<vmem>>) semaphore(%arg18 : memref<!tpu.dma_semaphore, #tpu.memory_space<semaphore_mem>>)
    %dma_wait3A_404 = arith.constant 0 : i32
    %dma_wait3A_405 = arith.constant 0 : i32
    %dma_wait3A_406 = tpu.memref_slice %arg12[%dma_wait3A_404, %dma_wait3A_405] : memref<4x16xi32, #tpu.memory_space<vmem>> -> memref<1x16xi32, #tpu.memory_space<vmem>>
    %dma_wait3A_407 = tpu.memref_squeeze %dma_wait3A_406 : memref<1x16xi32, #tpu.memory_space<vmem>> -> memref<16xi32, #tpu.memory_space<vmem>>
    %dma_wait3A_408 = arith.constant 0 : i32
    %dma_wait3A_409 = arith.constant 0 : i32
    %dma_wait3A_410 = arith.constant 0 : i32
    %dma_wait3A_411 = tpu.memref_slice %arg7[%dma_wait3A_408, %dma_wait3A_409, %dma_wait3A_410] : memref<3840x16x128xf32, #tpu.memory_space<hbm>> -> memref<3840x16x128xf32, #tpu.memory_space<hbm>>
    tpu.wait_indirect_dma semaphore(%arg18 : memref<!tpu.dma_semaphore, #tpu.memory_space<semaphore_mem>>) src(%arg14 : memref<16x16x128xf32, #tpu.memory_space<vmem>>) dst(%dma_wait3A_411 : memref<3840x16x128xf32, #tpu.memory_space<hbm>>)
    %mul3A_412 = arith.constant 64 : i32
    %mul3A_413 = arith.muli %add3A, %mul3A_412 : i32
    %add3A_414 = arith.constant 32 : i32
    %add3A_415 = arith.addi %mul3A_413, %add3A_414 : i32
    %dma_start3A_416 = arith.constant 0 : i32
    %dma_start3A_417 = arith.constant 0 : i32
    %dma_start3A_418 = tpu.memref_slice %arg5[%add3A_415, %dma_start3A_416, %dma_start3A_417] : memref<2048x16x128xf32, #tpu.memory_space<hbm>> -> memref<16x16x128xf32, #tpu.memory_space<hbm>>
    %dma_start3A_419 = arith.constant 0 : i32
    %dma_start3A_420 = arith.constant 0 : i32
    %dma_start3A_421 = tpu.memref_slice %arg5[%add3A_415, %dma_start3A_419, %dma_start3A_420] : memref<2048x16x128xf32, #tpu.memory_space<hbm>> -> memref<16x16x128xf32, #tpu.memory_space<hbm>>
    tpu.enqueue_dma source(%dma_start3A_421 : memref<16x16x128xf32, #tpu.memory_space<hbm>>) target(%arg14 : memref<16x16x128xf32, #tpu.memory_space<vmem>>) target_semaphore(%arg16 : memref<!tpu.dma_semaphore, #tpu.memory_space<semaphore_mem>>)
    %dma_wait3A_422 = arith.constant 0 : i32
    %dma_wait3A_423 = arith.constant 0 : i32
    %dma_wait3A_424 = tpu.memref_slice %arg5[%add3A_384, %dma_wait3A_422, %dma_wait3A_423] : memref<2048x16x128xf32, #tpu.memory_space<hbm>> -> memref<16x16x128xf32, #tpu.memory_space<hbm>>
    %dma_wait3A_425 = arith.constant 0 : i32
    %dma_wait3A_426 = arith.constant 0 : i32
    %dma_wait3A_427 = tpu.memref_slice %arg5[%add3A_384, %dma_wait3A_425, %dma_wait3A_426] : memref<2048x16x128xf32, #tpu.memory_space<hbm>> -> memref<16x16x128xf32, #tpu.memory_space<hbm>>
    tpu.wait_dma2 semaphore(%arg17 : memref<!tpu.dma_semaphore, #tpu.memory_space<semaphore_mem>>) src(%dma_wait3A_427 : memref<16x16x128xf32, #tpu.memory_space<hbm>>) dst(%arg15 : memref<16x16x128xf32, #tpu.memory_space<vmem>>)
    %dma_start3A_428 = arith.constant 1 : i32
    %dma_start3A_429 = arith.constant 0 : i32
    %dma_start3A_430 = tpu.memref_slice %arg12[%dma_start3A_428, %dma_start3A_429] : memref<4x16xi32, #tpu.memory_space<vmem>> -> memref<1x16xi32, #tpu.memory_space<vmem>>
    %dma_start3A_431 = tpu.memref_squeeze %dma_start3A_430 : memref<1x16xi32, #tpu.memory_space<vmem>> -> memref<16xi32, #tpu.memory_space<vmem>>
    %dma_start3A_432 = arith.constant 0 : i32
    %dma_start3A_433 = arith.constant 0 : i32
    %dma_start3A_434 = arith.constant 0 : i32
    %dma_start3A_435 = tpu.memref_slice %arg7[%dma_start3A_432, %dma_start3A_433, %dma_start3A_434] : memref<3840x16x128xf32, #tpu.memory_space<hbm>> -> memref<3840x16x128xf32, #tpu.memory_space<hbm>>
    tpu.enqueue_indirect_dma source(%arg15 : memref<16x16x128xf32, #tpu.memory_space<vmem>>) target(%dma_start3A_435 : memref<3840x16x128xf32, #tpu.memory_space<hbm>>) offsets(%dma_start3A_431 : memref<16xi32, #tpu.memory_space<vmem>>) semaphore(%arg19 : memref<!tpu.dma_semaphore, #tpu.memory_space<semaphore_mem>>)
    %dma_wait3A_436 = arith.constant 1 : i32
    %dma_wait3A_437 = arith.constant 0 : i32
    %dma_wait3A_438 = tpu.memref_slice %arg12[%dma_wait3A_436, %dma_wait3A_437] : memref<4x16xi32, #tpu.memory_space<vmem>> -> memref<1x16xi32, #tpu.memory_space<vmem>>
    %dma_wait3A_439 = tpu.memref_squeeze %dma_wait3A_438 : memref<1x16xi32, #tpu.memory_space<vmem>> -> memref<16xi32, #tpu.memory_space<vmem>>
    %dma_wait3A_440 = arith.constant 0 : i32
    %dma_wait3A_441 = arith.constant 0 : i32
    %dma_wait3A_442 = arith.constant 0 : i32
    %dma_wait3A_443 = tpu.memref_slice %arg7[%dma_wait3A_440, %dma_wait3A_441, %dma_wait3A_442] : memref<3840x16x128xf32, #tpu.memory_space<hbm>> -> memref<3840x16x128xf32, #tpu.memory_space<hbm>>
    tpu.wait_indirect_dma semaphore(%arg19 : memref<!tpu.dma_semaphore, #tpu.memory_space<semaphore_mem>>) src(%arg15 : memref<16x16x128xf32, #tpu.memory_space<vmem>>) dst(%dma_wait3A_443 : memref<3840x16x128xf32, #tpu.memory_space<hbm>>)
    %mul3A_444 = arith.constant 64 : i32
    %mul3A_445 = arith.muli %add3A, %mul3A_444 : i32
    %add3A_446 = arith.constant 48 : i32
    %add3A_447 = arith.addi %mul3A_445, %add3A_446 : i32
    %dma_start3A_448 = arith.constant 0 : i32
    %dma_start3A_449 = arith.constant 0 : i32
    %dma_start3A_450 = tpu.memref_slice %arg5[%add3A_447, %dma_start3A_448, %dma_start3A_449] : memref<2048x16x128xf32, #tpu.memory_space<hbm>> -> memref<16x16x128xf32, #tpu.memory_space<hbm>>
    %dma_start3A_451 = arith.constant 0 : i32
    %dma_start3A_452 = arith.constant 0 : i32
    %dma_start3A_453 = tpu.memref_slice %arg5[%add3A_447, %dma_start3A_451, %dma_start3A_452] : memref<2048x16x128xf32, #tpu.memory_space<hbm>> -> memref<16x16x128xf32, #tpu.memory_space<hbm>>
    tpu.enqueue_dma source(%dma_start3A_453 : memref<16x16x128xf32, #tpu.memory_space<hbm>>) target(%arg15 : memref<16x16x128xf32, #tpu.memory_space<vmem>>) target_semaphore(%arg17 : memref<!tpu.dma_semaphore, #tpu.memory_space<semaphore_mem>>)
    %dma_wait3A_454 = arith.constant 0 : i32
    %dma_wait3A_455 = arith.constant 0 : i32
    %dma_wait3A_456 = tpu.memref_slice %arg5[%add3A_415, %dma_wait3A_454, %dma_wait3A_455] : memref<2048x16x128xf32, #tpu.memory_space<hbm>> -> memref<16x16x128xf32, #tpu.memory_space<hbm>>
    %dma_wait3A_457 = arith.constant 0 : i32
    %dma_wait3A_458 = arith.constant 0 : i32
    %dma_wait3A_459 = tpu.memref_slice %arg5[%add3A_415, %dma_wait3A_457, %dma_wait3A_458] : memref<2048x16x128xf32, #tpu.memory_space<hbm>> -> memref<16x16x128xf32, #tpu.memory_space<hbm>>
    tpu.wait_dma2 semaphore(%arg16 : memref<!tpu.dma_semaphore, #tpu.memory_space<semaphore_mem>>) src(%dma_wait3A_459 : memref<16x16x128xf32, #tpu.memory_space<hbm>>) dst(%arg14 : memref<16x16x128xf32, #tpu.memory_space<vmem>>)
    %dma_start3A_460 = arith.constant 2 : i32
    %dma_start3A_461 = arith.constant 0 : i32
    %dma_start3A_462 = tpu.memref_slice %arg12[%dma_start3A_460, %dma_start3A_461] : memref<4x16xi32, #tpu.memory_space<vmem>> -> memref<1x16xi32, #tpu.memory_space<vmem>>
    %dma_start3A_463 = tpu.memref_squeeze %dma_start3A_462 : memref<1x16xi32, #tpu.memory_space<vmem>> -> memref<16xi32, #tpu.memory_space<vmem>>
    %dma_start3A_464 = arith.constant 0 : i32
    %dma_start3A_465 = arith.constant 0 : i32
    %dma_start3A_466 = arith.constant 0 : i32
    %dma_start3A_467 = tpu.memref_slice %arg7[%dma_start3A_464, %dma_start3A_465, %dma_start3A_466] : memref<3840x16x128xf32, #tpu.memory_space<hbm>> -> memref<3840x16x128xf32, #tpu.memory_space<hbm>>
    tpu.enqueue_indirect_dma source(%arg14 : memref<16x16x128xf32, #tpu.memory_space<vmem>>) target(%dma_start3A_467 : memref<3840x16x128xf32, #tpu.memory_space<hbm>>) offsets(%dma_start3A_463 : memref<16xi32, #tpu.memory_space<vmem>>) semaphore(%arg18 : memref<!tpu.dma_semaphore, #tpu.memory_space<semaphore_mem>>)
    %dma_wait3A_468 = arith.constant 0 : i32
    %dma_wait3A_469 = arith.constant 0 : i32
    %dma_wait3A_470 = tpu.memref_slice %arg5[%add3A_447, %dma_wait3A_468, %dma_wait3A_469] : memref<2048x16x128xf32, #tpu.memory_space<hbm>> -> memref<16x16x128xf32, #tpu.memory_space<hbm>>
    %dma_wait3A_471 = arith.constant 0 : i32
    %dma_wait3A_472 = arith.constant 0 : i32
    %dma_wait3A_473 = tpu.memref_slice %arg5[%add3A_447, %dma_wait3A_471, %dma_wait3A_472] : memref<2048x16x128xf32, #tpu.memory_space<hbm>> -> memref<16x16x128xf32, #tpu.memory_space<hbm>>
    tpu.wait_dma2 semaphore(%arg17 : memref<!tpu.dma_semaphore, #tpu.memory_space<semaphore_mem>>) src(%dma_wait3A_473 : memref<16x16x128xf32, #tpu.memory_space<hbm>>) dst(%arg15 : memref<16x16x128xf32, #tpu.memory_space<vmem>>)
    %dma_start3A_474 = arith.constant 3 : i32
    %dma_start3A_475 = arith.constant 0 : i32
    %dma_start3A_476 = tpu.memref_slice %arg12[%dma_start3A_474, %dma_start3A_475] : memref<4x16xi32, #tpu.memory_space<vmem>> -> memref<1x16xi32, #tpu.memory_space<vmem>>
    %dma_start3A_477 = tpu.memref_squeeze %dma_start3A_476 : memref<1x16xi32, #tpu.memory_space<vmem>> -> memref<16xi32, #tpu.memory_space<vmem>>
    %dma_start3A_478 = arith.constant 0 : i32
    %dma_start3A_479 = arith.constant 0 : i32
    %dma_start3A_480 = arith.constant 0 : i32
    %dma_start3A_481 = tpu.memref_slice %arg7[%dma_start3A_478, %dma_start3A_479, %dma_start3A_480] : memref<3840x16x128xf32, #tpu.memory_space<hbm>> -> memref<3840x16x128xf32, #tpu.memory_space<hbm>>
    tpu.enqueue_indirect_dma source(%arg15 : memref<16x16x128xf32, #tpu.memory_space<vmem>>) target(%dma_start3A_481 : memref<3840x16x128xf32, #tpu.memory_space<hbm>>) offsets(%dma_start3A_477 : memref<16xi32, #tpu.memory_space<vmem>>) semaphore(%arg19 : memref<!tpu.dma_semaphore, #tpu.memory_space<semaphore_mem>>)
    %dma_wait3A_482 = arith.constant 2 : i32
    %dma_wait3A_483 = arith.constant 0 : i32
    %dma_wait3A_484 = tpu.memref_slice %arg12[%dma_wait3A_482, %dma_wait3A_483] : memref<4x16xi32, #tpu.memory_space<vmem>> -> memref<1x16xi32, #tpu.memory_space<vmem>>
    %dma_wait3A_485 = tpu.memref_squeeze %dma_wait3A_484 : memref<1x16xi32, #tpu.memory_space<vmem>> -> memref<16xi32, #tpu.memory_space<vmem>>
    %dma_wait3A_486 = arith.constant 0 : i32
    %dma_wait3A_487 = arith.constant 0 : i32
    %dma_wait3A_488 = arith.constant 0 : i32
    %dma_wait3A_489 = tpu.memref_slice %arg7[%dma_wait3A_486, %dma_wait3A_487, %dma_wait3A_488] : memref<3840x16x128xf32, #tpu.memory_space<hbm>> -> memref<3840x16x128xf32, #tpu.memory_space<hbm>>
    tpu.wait_indirect_dma semaphore(%arg18 : memref<!tpu.dma_semaphore, #tpu.memory_space<semaphore_mem>>) src(%arg14 : memref<16x16x128xf32, #tpu.memory_space<vmem>>) dst(%dma_wait3A_489 : memref<3840x16x128xf32, #tpu.memory_space<hbm>>)
    %dma_wait3A_490 = arith.constant 3 : i32
    %dma_wait3A_491 = arith.constant 0 : i32
    %dma_wait3A_492 = tpu.memref_slice %arg12[%dma_wait3A_490, %dma_wait3A_491] : memref<4x16xi32, #tpu.memory_space<vmem>> -> memref<1x16xi32, #tpu.memory_space<vmem>>
    %dma_wait3A_493 = tpu.memref_squeeze %dma_wait3A_492 : memref<1x16xi32, #tpu.memory_space<vmem>> -> memref<16xi32, #tpu.memory_space<vmem>>
    %dma_wait3A_494 = arith.constant 0 : i32
    %dma_wait3A_495 = arith.constant 0 : i32
    %dma_wait3A_496 = arith.constant 0 : i32
    %dma_wait3A_497 = tpu.memref_slice %arg7[%dma_wait3A_494, %dma_wait3A_495, %dma_wait3A_496] : memref<3840x16x128xf32, #tpu.memory_space<hbm>> -> memref<3840x16x128xf32, #tpu.memory_space<hbm>>
    tpu.wait_indirect_dma semaphore(%arg19 : memref<!tpu.dma_semaphore, #tpu.memory_space<semaphore_mem>>) src(%arg15 : memref<16x16x128xf32, #tpu.memory_space<vmem>>) dst(%dma_wait3A_497 : memref<3840x16x128xf32, #tpu.memory_space<hbm>>)
    %broadcast_in_dim3A_498 = arith.constant 1 : i32
    %broadcast_in_dim3A_499 = vector.broadcast %broadcast_in_dim3A_498 : i32 to vector<16xi32>
    %broadcast_in_dim3A_500 = arith.constant 0 : i32
    %broadcast_in_dim3A_501 = vector.broadcast %broadcast_in_dim3A_500 : i32 to vector<16xi32>
    %broadcast_in_dim3A_502 = arith.constant -1 : i32
    %broadcast_in_dim3A_503 = vector.broadcast %broadcast_in_dim3A_502 : i32 to vector<16xi32>
    %iota3A = tpu.iota {dimensions = array<i32: 0>} : vector<16xi32>
    %add3A_504 = arith.constant 0 : i32
    %add3A_505 = vector.broadcast %add3A_504 : i32 to vector<16xi32>
    %add3A_506 = arith.addi %iota3A, %add3A_505 : vector<16xi32>
    %mul3A_507 = arith.constant 256 : i32
    %mul3A_508 = vector.broadcast %mul3A_507 : i32 to vector<16xi32>
    %mul3A_509 = arith.muli %add3A_506, %mul3A_508 : vector<16xi32>
    %slice3A_510 = vector.extract_strided_slice %shift_left3A_11 {offsets = [0], sizes = [1], strides = [1]} : vector<16xi32> to vector<1xi32>
    %squeeze3A_511 = vector.extract %slice3A_510[0] : i32 from vector<1xi32>
    %add3A_512 = arith.constant 0 : i32
    %add3A_513 = arith.addi %add3A_512, %squeeze3A_511 : i32
    %broadcast_in_dim3A_514 = vector.broadcast %add3A_513 : i32 to vector<16xi32>
    %ge3A = arith.cmpi sge, %mul3A_509, %broadcast_in_dim3A_514 : vector<16xi32>
    %select_n3A_515 = arith.select %ge3A, %broadcast_in_dim3A_499, %broadcast_in_dim3A_501 : vector<16xi1>, vector<16xi32>
    %add3A_516 = arith.addi %broadcast_in_dim3A_501, %select_n3A_515 : vector<16xi32>
    %slice3A_517 = vector.extract_strided_slice %shift_left3A_11 {offsets = [1], sizes = [1], strides = [1]} : vector<16xi32> to vector<1xi32>
    %squeeze3A_518 = vector.extract %slice3A_517[0] : i32 from vector<1xi32>
    %add3A_519 = arith.addi %add3A_13, %squeeze3A_518 : i32
    %broadcast_in_dim3A_520 = vector.broadcast %add3A_519 : i32 to vector<16xi32>
    %ge3A_521 = arith.cmpi sge, %mul3A_509, %broadcast_in_dim3A_520 : vector<16xi32>
    %select_n3A_522 = arith.select %ge3A_521, %broadcast_in_dim3A_499, %broadcast_in_dim3A_501 : vector<16xi1>, vector<16xi32>
    %add3A_523 = arith.addi %add3A_516, %select_n3A_522 : vector<16xi32>
    %slice3A_524 = vector.extract_strided_slice %shift_left3A_11 {offsets = [2], sizes = [1], strides = [1]} : vector<16xi32> to vector<1xi32>
    %squeeze3A_525 = vector.extract %slice3A_524[0] : i32 from vector<1xi32>
    %add3A_526 = arith.addi %add3A_16, %squeeze3A_525 : i32
    %broadcast_in_dim3A_527 = vector.broadcast %add3A_526 : i32 to vector<16xi32>
    %ge3A_528 = arith.cmpi sge, %mul3A_509, %broadcast_in_dim3A_527 : vector<16xi32>
    %select_n3A_529 = arith.select %ge3A_528, %broadcast_in_dim3A_499, %broadcast_in_dim3A_501 : vector<16xi1>, vector<16xi32>
    %add3A_530 = arith.addi %add3A_523, %select_n3A_529 : vector<16xi32>
    %slice3A_531 = vector.extract_strided_slice %shift_left3A_11 {offsets = [3], sizes = [1], strides = [1]} : vector<16xi32> to vector<1xi32>
    %squeeze3A_532 = vector.extract %slice3A_531[0] : i32 from vector<1xi32>
    %add3A_533 = arith.addi %add3A_19, %squeeze3A_532 : i32
    %broadcast_in_dim3A_534 = vector.broadcast %add3A_533 : i32 to vector<16xi32>
    %ge3A_535 = arith.cmpi sge, %mul3A_509, %broadcast_in_dim3A_534 : vector<16xi32>
    %select_n3A_536 = arith.select %ge3A_535, %broadcast_in_dim3A_499, %broadcast_in_dim3A_501 : vector<16xi1>, vector<16xi32>
    %add3A_537 = arith.addi %add3A_530, %select_n3A_536 : vector<16xi32>
    %slice3A_538 = vector.extract_strided_slice %shift_left3A_11 {offsets = [4], sizes = [1], strides = [1]} : vector<16xi32> to vector<1xi32>
    %squeeze3A_539 = vector.extract %slice3A_538[0] : i32 from vector<1xi32>
    %add3A_540 = arith.addi %add3A_22, %squeeze3A_539 : i32
    %broadcast_in_dim3A_541 = vector.broadcast %add3A_540 : i32 to vector<16xi32>
    %ge3A_542 = arith.cmpi sge, %mul3A_509, %broadcast_in_dim3A_541 : vector<16xi32>
    %select_n3A_543 = arith.select %ge3A_542, %broadcast_in_dim3A_499, %broadcast_in_dim3A_501 : vector<16xi1>, vector<16xi32>
    %add3A_544 = arith.addi %add3A_537, %select_n3A_543 : vector<16xi32>
    %slice3A_545 = vector.extract_strided_slice %shift_left3A_11 {offsets = [5], sizes = [1], strides = [1]} : vector<16xi32> to vector<1xi32>
    %squeeze3A_546 = vector.extract %slice3A_545[0] : i32 from vector<1xi32>
    %add3A_547 = arith.addi %add3A_25, %squeeze3A_546 : i32
    %broadcast_in_dim3A_548 = vector.broadcast %add3A_547 : i32 to vector<16xi32>
    %ge3A_549 = arith.cmpi sge, %mul3A_509, %broadcast_in_dim3A_548 : vector<16xi32>
    %select_n3A_550 = arith.select %ge3A_549, %broadcast_in_dim3A_499, %broadcast_in_dim3A_501 : vector<16xi1>, vector<16xi32>
    %add3A_551 = arith.addi %add3A_544, %select_n3A_550 : vector<16xi32>
    %slice3A_552 = vector.extract_strided_slice %shift_left3A_11 {offsets = [6], sizes = [1], strides = [1]} : vector<16xi32> to vector<1xi32>
    %squeeze3A_553 = vector.extract %slice3A_552[0] : i32 from vector<1xi32>
    %add3A_554 = arith.addi %add3A_28, %squeeze3A_553 : i32
    %broadcast_in_dim3A_555 = vector.broadcast %add3A_554 : i32 to vector<16xi32>
    %ge3A_556 = arith.cmpi sge, %mul3A_509, %broadcast_in_dim3A_555 : vector<16xi32>
    %select_n3A_557 = arith.select %ge3A_556, %broadcast_in_dim3A_499, %broadcast_in_dim3A_501 : vector<16xi1>, vector<16xi32>
    %add3A_558 = arith.addi %add3A_551, %select_n3A_557 : vector<16xi32>
    %slice3A_559 = vector.extract_strided_slice %shift_left3A_11 {offsets = [7], sizes = [1], strides = [1]} : vector<16xi32> to vector<1xi32>
    %squeeze3A_560 = vector.extract %slice3A_559[0] : i32 from vector<1xi32>
    %add3A_561 = arith.addi %add3A_31, %squeeze3A_560 : i32
    %broadcast_in_dim3A_562 = vector.broadcast %add3A_561 : i32 to vector<16xi32>
    %ge3A_563 = arith.cmpi sge, %mul3A_509, %broadcast_in_dim3A_562 : vector<16xi32>
    %select_n3A_564 = arith.select %ge3A_563, %broadcast_in_dim3A_499, %broadcast_in_dim3A_501 : vector<16xi1>, vector<16xi32>
    %add3A_565 = arith.addi %add3A_558, %select_n3A_564 : vector<16xi32>
    %broadcast_in_dim3A_566 = vector.broadcast %add3A_34 : i32 to vector<16xi32>
    %lt3A = arith.cmpi slt, %mul3A_509, %broadcast_in_dim3A_566 : vector<16xi32>
    %select_n3A_567 = arith.select %lt3A, %add3A_565, %broadcast_in_dim3A_503 : vector<16xi1>, vector<16xi32>
    %swap3A_568 = arith.constant 0 : i32
    %swap3A_569 = arith.index_cast %swap3A_568 : i32 to index
    %swap3A_570 = arith.constant 0 : index
    %swap3A_571 = tpu.vector_load %arg13[%swap3A_569, %swap3A_570] {strides = array<i32>} : memref<2x16xi32, #tpu.memory_space<vmem>>, vector<1x16xi32>,
    %swap3A_572 = vector.shape_cast %swap3A_571 : vector<1x16xi32> to vector<16xi32>
    %swap3A_573 = vector.shape_cast %select_n3A_567 : vector<16xi32> to vector<1x16xi32>
    tpu.vector_store %arg13[%swap3A_569, %swap3A_570], %swap3A_573 {strides = array<i32>} : memref<2x16xi32, #tpu.memory_space<vmem>>, vector<1x16xi32>,
    %iota3A_574 = tpu.iota {dimensions = array<i32: 0>} : vector<16xi32>
    %add3A_575 = arith.constant 16 : i32
    %add3A_576 = vector.broadcast %add3A_575 : i32 to vector<16xi32>
    %add3A_577 = arith.addi %iota3A_574, %add3A_576 : vector<16xi32>
    %mul3A_578 = arith.constant 256 : i32
    %mul3A_579 = vector.broadcast %mul3A_578 : i32 to vector<16xi32>
    %mul3A_580 = arith.muli %add3A_577, %mul3A_579 : vector<16xi32>
    %slice3A_581 = vector.extract_strided_slice %shift_left3A_11 {offsets = [0], sizes = [1], strides = [1]} : vector<16xi32> to vector<1xi32>
    %squeeze3A_582 = vector.extract %slice3A_581[0] : i32 from vector<1xi32>
    %add3A_583 = arith.constant 0 : i32
    %add3A_584 = arith.addi %add3A_583, %squeeze3A_582 : i32
    %broadcast_in_dim3A_585 = vector.broadcast %add3A_584 : i32 to vector<16xi32>
    %ge3A_586 = arith.cmpi sge, %mul3A_580, %broadcast_in_dim3A_585 : vector<16xi32>
    %select_n3A_587 = arith.select %ge3A_586, %broadcast_in_dim3A_499, %broadcast_in_dim3A_501 : vector<16xi1>, vector<16xi32>
    %add3A_588 = arith.addi %broadcast_in_dim3A_501, %select_n3A_587 : vector<16xi32>
    %slice3A_589 = vector.extract_strided_slice %shift_left3A_11 {offsets = [1], sizes = [1], strides = [1]} : vector<16xi32> to vector<1xi32>
    %squeeze3A_590 = vector.extract %slice3A_589[0] : i32 from vector<1xi32>
    %add3A_591 = arith.addi %add3A_13, %squeeze3A_590 : i32
    %broadcast_in_dim3A_592 = vector.broadcast %add3A_591 : i32 to vector<16xi32>
    %ge3A_593 = arith.cmpi sge, %mul3A_580, %broadcast_in_dim3A_592 : vector<16xi32>
    %select_n3A_594 = arith.select %ge3A_593, %broadcast_in_dim3A_499, %broadcast_in_dim3A_501 : vector<16xi1>, vector<16xi32>
    %add3A_595 = arith.addi %add3A_588, %select_n3A_594 : vector<16xi32>
    %slice3A_596 = vector.extract_strided_slice %shift_left3A_11 {offsets = [2], sizes = [1], strides = [1]} : vector<16xi32> to vector<1xi32>
    %squeeze3A_597 = vector.extract %slice3A_596[0] : i32 from vector<1xi32>
    %add3A_598 = arith.addi %add3A_16, %squeeze3A_597 : i32
    %broadcast_in_dim3A_599 = vector.broadcast %add3A_598 : i32 to vector<16xi32>
    %ge3A_600 = arith.cmpi sge, %mul3A_580, %broadcast_in_dim3A_599 : vector<16xi32>
    %select_n3A_601 = arith.select %ge3A_600, %broadcast_in_dim3A_499, %broadcast_in_dim3A_501 : vector<16xi1>, vector<16xi32>
    %add3A_602 = arith.addi %add3A_595, %select_n3A_601 : vector<16xi32>
    %slice3A_603 = vector.extract_strided_slice %shift_left3A_11 {offsets = [3], sizes = [1], strides = [1]} : vector<16xi32> to vector<1xi32>
    %squeeze3A_604 = vector.extract %slice3A_603[0] : i32 from vector<1xi32>
    %add3A_605 = arith.addi %add3A_19, %squeeze3A_604 : i32
    %broadcast_in_dim3A_606 = vector.broadcast %add3A_605 : i32 to vector<16xi32>
    %ge3A_607 = arith.cmpi sge, %mul3A_580, %broadcast_in_dim3A_606 : vector<16xi32>
    %select_n3A_608 = arith.select %ge3A_607, %broadcast_in_dim3A_499, %broadcast_in_dim3A_501 : vector<16xi1>, vector<16xi32>
    %add3A_609 = arith.addi %add3A_602, %select_n3A_608 : vector<16xi32>
    %slice3A_610 = vector.extract_strided_slice %shift_left3A_11 {offsets = [4], sizes = [1], strides = [1]} : vector<16xi32> to vector<1xi32>
    %squeeze3A_611 = vector.extract %slice3A_610[0] : i32 from vector<1xi32>
    %add3A_612 = arith.addi %add3A_22, %squeeze3A_611 : i32
    %broadcast_in_dim3A_613 = vector.broadcast %add3A_612 : i32 to vector<16xi32>
    %ge3A_614 = arith.cmpi sge, %mul3A_580, %broadcast_in_dim3A_613 : vector<16xi32>
    %select_n3A_615 = arith.select %ge3A_614, %broadcast_in_dim3A_499, %broadcast_in_dim3A_501 : vector<16xi1>, vector<16xi32>
    %add3A_616 = arith.addi %add3A_609, %select_n3A_615 : vector<16xi32>
    %slice3A_617 = vector.extract_strided_slice %shift_left3A_11 {offsets = [5], sizes = [1], strides = [1]} : vector<16xi32> to vector<1xi32>
    %squeeze3A_618 = vector.extract %slice3A_617[0] : i32 from vector<1xi32>
    %add3A_619 = arith.addi %add3A_25, %squeeze3A_618 : i32
    %broadcast_in_dim3A_620 = vector.broadcast %add3A_619 : i32 to vector<16xi32>
    %ge3A_621 = arith.cmpi sge, %mul3A_580, %broadcast_in_dim3A_620 : vector<16xi32>
    %select_n3A_622 = arith.select %ge3A_621, %broadcast_in_dim3A_499, %broadcast_in_dim3A_501 : vector<16xi1>, vector<16xi32>
    %add3A_623 = arith.addi %add3A_616, %select_n3A_622 : vector<16xi32>
    %slice3A_624 = vector.extract_strided_slice %shift_left3A_11 {offsets = [6], sizes = [1], strides = [1]} : vector<16xi32> to vector<1xi32>
    %squeeze3A_625 = vector.extract %slice3A_624[0] : i32 from vector<1xi32>
    %add3A_626 = arith.addi %add3A_28, %squeeze3A_625 : i32
    %broadcast_in_dim3A_627 = vector.broadcast %add3A_626 : i32 to vector<16xi32>
    %ge3A_628 = arith.cmpi sge, %mul3A_580, %broadcast_in_dim3A_627 : vector<16xi32>
    %select_n3A_629 = arith.select %ge3A_628, %broadcast_in_dim3A_499, %broadcast_in_dim3A_501 : vector<16xi1>, vector<16xi32>
    %add3A_630 = arith.addi %add3A_623, %select_n3A_629 : vector<16xi32>
    %slice3A_631 = vector.extract_strided_slice %shift_left3A_11 {offsets = [7], sizes = [1], strides = [1]} : vector<16xi32> to vector<1xi32>
    %squeeze3A_632 = vector.extract %slice3A_631[0] : i32 from vector<1xi32>
    %add3A_633 = arith.addi %add3A_31, %squeeze3A_632 : i32
    %broadcast_in_dim3A_634 = vector.broadcast %add3A_633 : i32 to vector<16xi32>
    %ge3A_635 = arith.cmpi sge, %mul3A_580, %broadcast_in_dim3A_634 : vector<16xi32>
    %select_n3A_636 = arith.select %ge3A_635, %broadcast_in_dim3A_499, %broadcast_in_dim3A_501 : vector<16xi1>, vector<16xi32>
    %add3A_637 = arith.addi %add3A_630, %select_n3A_636 : vector<16xi32>
    %broadcast_in_dim3A_638 = vector.broadcast %add3A_34 : i32 to vector<16xi32>
    %lt3A_639 = arith.cmpi slt, %mul3A_580, %broadcast_in_dim3A_638 : vector<16xi32>
    %select_n3A_640 = arith.select %lt3A_639, %add3A_637, %broadcast_in_dim3A_503 : vector<16xi1>, vector<16xi32>
    %swap3A_641 = arith.constant 1 : i32
    %swap3A_642 = arith.index_cast %swap3A_641 : i32 to index
    %swap3A_643 = arith.constant 0 : index
    %swap3A_644 = tpu.vector_load %arg13[%swap3A_642, %swap3A_643] {strides = array<i32>} : memref<2x16xi32, #tpu.memory_space<vmem>>, vector<1x16xi32>,
    %swap3A_645 = vector.shape_cast %swap3A_644 : vector<1x16xi32> to vector<16xi32>
    %swap3A_646 = vector.shape_cast %select_n3A_640 : vector<16xi32> to vector<1x16xi32>
    tpu.vector_store %arg13[%swap3A_642, %swap3A_643], %swap3A_646 {strides = array<i32>} : memref<2x16xi32, #tpu.memory_space<vmem>>, vector<1x16xi32>,
    %eq3A_647 = arith.constant 0 : i32
    %eq3A_648 = arith.cmpi eq, %add3A, %eq3A_647 : i32
    %convert_element_type3A = arith.extui %eq3A_648 : i1 to i32
    %cond3A = arith.constant 0 : i32
    %cond3A_649 = arith.cmpi ne, %convert_element_type3A, %cond3A : i32
    scf.if %cond3A_649 {
      %run_scoped3A = arith.constant 0 : i32
      "tpu.region"() ({
        %run_scoped3A_651 = tpu.sem_alloc : memref<!tpu.dma_semaphore, #tpu.memory_space<semaphore_mem>>
        %dma_start3A_652 = arith.constant 0 : i32
        %dma_start3A_653 = tpu.memref_slice %arg13[%run_scoped3A, %dma_start3A_652] : memref<2x16xi32, #tpu.memory_space<vmem>> -> memref<1x16xi32, #tpu.memory_space<vmem>>
        %dma_start3A_654 = tpu.memref_squeeze %dma_start3A_653 : memref<1x16xi32, #tpu.memory_space<vmem>> -> memref<16xi32, #tpu.memory_space<vmem>>
        %dma_start3A_655 = arith.constant 0 : i32
        %dma_start3A_656 = tpu.memref_slice %arg8[%dma_start3A_655] : memref<32xi32, #tpu.memory_space<hbm>> -> memref<16xi32, #tpu.memory_space<hbm>>
        %dma_start3A_657 = arith.constant 0 : i32
        %dma_start3A_658 = tpu.memref_slice %arg8[%dma_start3A_657] : memref<32xi32, #tpu.memory_space<hbm>> -> memref<16xi32, #tpu.memory_space<hbm>>
        %dma_start3A_659 = arith.constant 0 : i32
        %dma_start3A_660 = tpu.memref_slice %arg13[%run_scoped3A, %dma_start3A_659] : memref<2x16xi32, #tpu.memory_space<vmem>> -> memref<1x16xi32, #tpu.memory_space<vmem>>
        %dma_start3A_661 = tpu.memref_squeeze %dma_start3A_660 : memref<1x16xi32, #tpu.memory_space<vmem>> -> memref<16xi32, #tpu.memory_space<vmem>>
        tpu.enqueue_dma source(%dma_start3A_661 : memref<16xi32, #tpu.memory_space<vmem>>) target(%dma_start3A_658 : memref<16xi32, #tpu.memory_space<hbm>>) target_semaphore(%run_scoped3A_651 : memref<!tpu.dma_semaphore, #tpu.memory_space<semaphore_mem>>)
        %dma_wait3A_662 = arith.constant 0 : i32
        %dma_wait3A_663 = tpu.memref_slice %arg13[%run_scoped3A, %dma_wait3A_662] : memref<2x16xi32, #tpu.memory_space<vmem>> -> memref<1x16xi32, #tpu.memory_space<vmem>>
        %dma_wait3A_664 = tpu.memref_squeeze %dma_wait3A_663 : memref<1x16xi32, #tpu.memory_space<vmem>> -> memref<16xi32, #tpu.memory_space<vmem>>
        %dma_wait3A_665 = arith.constant 0 : i32
        %dma_wait3A_666 = tpu.memref_slice %arg8[%dma_wait3A_665] : memref<32xi32, #tpu.memory_space<hbm>> -> memref<16xi32, #tpu.memory_space<hbm>>
        %dma_wait3A_667 = arith.constant 0 : i32
        %dma_wait3A_668 = tpu.memref_slice %arg8[%dma_wait3A_667] : memref<32xi32, #tpu.memory_space<hbm>> -> memref<16xi32, #tpu.memory_space<hbm>>
        %dma_wait3A_669 = arith.constant 0 : i32
        %dma_wait3A_670 = tpu.memref_slice %arg13[%run_scoped3A, %dma_wait3A_669] : memref<2x16xi32, #tpu.memory_space<vmem>> -> memref<1x16xi32, #tpu.memory_space<vmem>>
        %dma_wait3A_671 = tpu.memref_squeeze %dma_wait3A_670 : memref<1x16xi32, #tpu.memory_space<vmem>> -> memref<16xi32, #tpu.memory_space<vmem>>
        tpu.wait_dma2 semaphore(%run_scoped3A_651 : memref<!tpu.dma_semaphore, #tpu.memory_space<semaphore_mem>>) src(%dma_wait3A_671 : memref<16xi32, #tpu.memory_space<vmem>>) dst(%dma_wait3A_668 : memref<16xi32, #tpu.memory_space<hbm>>)
        tpu.yield
      }) : () -> ()
      %run_scoped3A_650 = arith.constant 1 : i32
      "tpu.region"() ({
        %run_scoped3A_651 = tpu.sem_alloc : memref<!tpu.dma_semaphore, #tpu.memory_space<semaphore_mem>>
        %dma_start3A_652 = arith.constant 0 : i32
        %dma_start3A_653 = tpu.memref_slice %arg13[%run_scoped3A_650, %dma_start3A_652] : memref<2x16xi32, #tpu.memory_space<vmem>> -> memref<1x16xi32, #tpu.memory_space<vmem>>
        %dma_start3A_654 = tpu.memref_squeeze %dma_start3A_653 : memref<1x16xi32, #tpu.memory_space<vmem>> -> memref<16xi32, #tpu.memory_space<vmem>>
        %dma_start3A_655 = arith.constant 16 : i32
        %dma_start3A_656 = tpu.memref_slice %arg8[%dma_start3A_655] : memref<32xi32, #tpu.memory_space<hbm>> -> memref<16xi32, #tpu.memory_space<hbm>>
        %dma_start3A_657 = arith.constant 16 : i32
        %dma_start3A_658 = tpu.memref_slice %arg8[%dma_start3A_657] : memref<32xi32, #tpu.memory_space<hbm>> -> memref<16xi32, #tpu.memory_space<hbm>>
        %dma_start3A_659 = arith.constant 0 : i32
        %dma_start3A_660 = tpu.memref_slice %arg13[%run_scoped3A_650, %dma_start3A_659] : memref<2x16xi32, #tpu.memory_space<vmem>> -> memref<1x16xi32, #tpu.memory_space<vmem>>
        %dma_start3A_661 = tpu.memref_squeeze %dma_start3A_660 : memref<1x16xi32, #tpu.memory_space<vmem>> -> memref<16xi32, #tpu.memory_space<vmem>>
        tpu.enqueue_dma source(%dma_start3A_661 : memref<16xi32, #tpu.memory_space<vmem>>) target(%dma_start3A_658 : memref<16xi32, #tpu.memory_space<hbm>>) target_semaphore(%run_scoped3A_651 : memref<!tpu.dma_semaphore, #tpu.memory_space<semaphore_mem>>)
        %dma_wait3A_662 = arith.constant 0 : i32
        %dma_wait3A_663 = tpu.memref_slice %arg13[%run_scoped3A_650, %dma_wait3A_662] : memref<2x16xi32, #tpu.memory_space<vmem>> -> memref<1x16xi32, #tpu.memory_space<vmem>>
        %dma_wait3A_664 = tpu.memref_squeeze %dma_wait3A_663 : memref<1x16xi32, #tpu.memory_space<vmem>> -> memref<16xi32, #tpu.memory_space<vmem>>
        %dma_wait3A_665 = arith.constant 16 : i32
        %dma_wait3A_666 = tpu.memref_slice %arg8[%dma_wait3A_665] : memref<32xi32, #tpu.memory_space<hbm>> -> memref<16xi32, #tpu.memory_space<hbm>>
        %dma_wait3A_667 = arith.constant 16 : i32
        %dma_wait3A_668 = tpu.memref_slice %arg8[%dma_wait3A_667] : memref<32xi32, #tpu.memory_space<hbm>> -> memref<16xi32, #tpu.memory_space<hbm>>
        %dma_wait3A_669 = arith.constant 0 : i32
        %dma_wait3A_670 = tpu.memref_slice %arg13[%run_scoped3A_650, %dma_wait3A_669] : memref<2x16xi32, #tpu.memory_space<vmem>> -> memref<1x16xi32, #tpu.memory_space<vmem>>
        %dma_wait3A_671 = tpu.memref_squeeze %dma_wait3A_670 : memref<1x16xi32, #tpu.memory_space<vmem>> -> memref<16xi32, #tpu.memory_space<vmem>>
        tpu.wait_dma2 semaphore(%run_scoped3A_651 : memref<!tpu.dma_semaphore, #tpu.memory_space<semaphore_mem>>) src(%dma_wait3A_671 : memref<16xi32, #tpu.memory_space<vmem>>) dst(%dma_wait3A_668 : memref<16xi32, #tpu.memory_space<hbm>>)
        tpu.yield
      }) : () -> ()
    } else {
    }
    return
  }
}

module attributes {stable_mosaic.version = 14 : i64} {
  func.func @_router_body(%arg0: i32, %arg1: memref<256x16x128xf32, #tpu.memory_space<vmem>>, %arg2: memref<128x8xf32, #tpu.memory_space<vmem>>, %arg3: memref<256x8xf32, #tpu.memory_space<vmem>>, %arg4: memref<16x16xi32, #tpu.memory_space<vmem>>, %arg5: memref<16x16xi32, #tpu.memory_space<vmem>>, %arg6: memref<16x16xf32, #tpu.memory_space<vmem>>, %arg7: memref<1x16xf32, #tpu.memory_space<vmem>>, %arg8: memref<1x1xf32, #tpu.memory_space<vmem>>, %arg9: memref<1x16xi32, #tpu.memory_space<vmem>>) attributes {dimension_semantics = [#tpu.dimension_semantics<arbitrary>], iteration_bounds = array<i64: 8>, scalar_prefetch = 0 : i64, scratch_operands = 0 : i64, tpu.core_type = #tpu.core_type<tc>, window_params = [{transform_indices = @transform_0, window_bounds = array<i64: 256, 16, 128>}, {pipeline_mode = #tpu.pipeline_mode<synchronous>, transform_indices = @transform_1, window_bounds = array<i64: 128, 8>}, {transform_indices = @transform_2, window_bounds = array<i64: 256, 8>}, {transform_indices = @transform_3, window_bounds = array<i64: 16, 16>}, {transform_indices = @transform_4, window_bounds = array<i64: 16, 16>}, {transform_indices = @transform_5, window_bounds = array<i64: 16, 16>}, {pipeline_mode = #tpu.pipeline_mode<synchronous>, transform_indices = @transform_6, window_bounds = array<i64: 1, 16>}, {pipeline_mode = #tpu.pipeline_mode<synchronous>, transform_indices = @transform_7, window_bounds = array<i64: 1, 1>}, {pipeline_mode = #tpu.pipeline_mode<synchronous>, transform_indices = @transform_8, window_bounds = array<i64: 1, 16>}]} {
    %eq3A = arith.constant 0 : i32
    %eq3A_0 = arith.cmpi eq, %arg0, %eq3A : i32
    %convert_element_type3A = arith.extui %eq3A_0 : i1 to i32
    %cond3A = arith.constant 0 : i32
    %cond3A_1 = arith.cmpi ne, %convert_element_type3A, %cond3A : i32
    scf.if %cond3A_1 {
      %broadcast_in_dim3A_72 = arith.constant 0.000000e+00 : f32
      %broadcast_in_dim3A_73 = vector.broadcast %broadcast_in_dim3A_72 : f32 to vector<1x16xf32>
      %swap3A_74 = arith.constant 0 : index
      %swap3A_75 = arith.constant 0 : index
      %swap3A_76 = vector.load %arg7[%swap3A_74, %swap3A_75] : memref<1x16xf32, #tpu.memory_space<vmem>>, vector<1x16xf32>
      tpu.vector_store %arg7[%swap3A_74, %swap3A_75], %broadcast_in_dim3A_73 {strides = array<i32>} : memref<1x16xf32, #tpu.memory_space<vmem>>, vector<1x16xf32>,
    } else {
    }
    %get3A = arith.constant 0 : index
    %get3A_2 = arith.constant 0 : index
    %get3A_3 = arith.constant 0 : index
    %get3A_4 = vector.load %arg1[%get3A, %get3A_2, %get3A_3] : memref<256x16x128xf32, #tpu.memory_space<vmem>>, vector<256x16x128xf32>
    %reduce_sum3A = arith.constant dense<0.000000e+00> : vector<256x128xf32>
    %reduce_sum3A_5 = vector.multi_reduction <add>, %get3A_4, %reduce_sum3A [1] : vector<256x16x128xf32> to vector<256x128xf32>
    %get3A_6 = arith.constant 0 : index
    %get3A_7 = arith.constant 0 : index
    %get3A_8 = vector.load %arg2[%get3A_6, %get3A_7] : memref<128x8xf32, #tpu.memory_space<vmem>>, vector<128x8xf32>
    %dot_general3A = arith.constant dense<0.000000e+00> : vector<256x8xf32>
    %dot_general3A_9 = tpu.matmul %reduce_sum3A_5, %get3A_8, %dot_general3A {dimension_numbers = #tpu.dot_dimension_numbers<[1], [0], [0], [1], [0, 0, 1, 1], [], []>, transpose_lhs_hint = false} : vector<256x128xf32>, vector<128x8xf32>, vector<256x8xf32> -> vector<256x8xf32>
    %reduce_max3A = arith.constant dense<0xFF800000> : vector<256xf32>
    %reduce_max3A_10 = vector.multi_reduction <maximumf>, %dot_general3A_9, %reduce_max3A [1] : vector<256x8xf32> to vector<256xf32>
    %broadcast_in_dim3A = vector.shape_cast %reduce_max3A_10 : vector<256xf32> to vector<256x1xf32>
    %iota3A = tpu.iota {dimensions = array<i32: 1>} : vector<256x8xi32>
    %eq3A_11 = vector.broadcast %broadcast_in_dim3A : vector<256x1xf32> to vector<256x8xf32>
    %eq3A_12 = arith.cmpf oeq, %dot_general3A_9, %eq3A_11 : vector<256x8xf32>
    %jit3A = arith.constant 8 : i32
    %broadcast_in_dim3A_13 = vector.broadcast %jit3A : i32 to vector<256x8xi32>
    %select_n3A = arith.select %eq3A_12, %iota3A, %broadcast_in_dim3A_13 : vector<256x8xi1>, vector<256x8xi32>
    %reduce_min3A = arith.constant dense<2147483647> : vector<256xi32>
    %reduce_min3A_14 = vector.multi_reduction <minsi>, %select_n3A, %reduce_min3A [1] : vector<256x8xi32> to vector<256xi32>
    %broadcast_in_dim3A_15 = vector.shape_cast %reduce_min3A_14 : vector<256xi32> to vector<256x1xi32>
    %eq3A_16 = vector.broadcast %broadcast_in_dim3A_15 : vector<256x1xi32> to vector<256x8xi32>
    %eq3A_17 = arith.cmpi eq, %iota3A, %eq3A_16 : vector<256x8xi32>
    %convert_element_type3A_18 = arith.extui %eq3A_17 : vector<256x8xi1> to vector<256x8xi32>
    %convert_element_type3A_19 = arith.sitofp %convert_element_type3A_18 : vector<256x8xi32> to vector<256x8xf32>
    %ne3A = arith.constant 0.000000e+00 : f32
    %ne3A_20 = vector.broadcast %ne3A : f32 to vector<256x1xf32>
    %ne3A_21 = arith.cmpf one, %broadcast_in_dim3A, %ne3A_20 : vector<256x1xf32>
    %jit3A_22 = arith.constant 0.000000e+00 : f32
    %broadcast_in_dim3A_23 = vector.shape_cast %ne3A_21 : vector<256x1xi1> to vector<256x1xi1>
    %broadcast_in_dim3A_24 = vector.broadcast %broadcast_in_dim3A_23 : vector<256x1xi1> to vector<256x8xi1>
    %broadcast_in_dim3A_25 = vector.broadcast %jit3A_22 : f32 to vector<256x8xf32>
    %select_n3A_26 = arith.select %broadcast_in_dim3A_24, %convert_element_type3A_19, %broadcast_in_dim3A_25 : vector<256x8xi1>, vector<256x8xf32>
    %swap3A = arith.constant 0 : index
    %swap3A_27 = arith.constant 0 : index
    %swap3A_28 = vector.load %arg3[%swap3A, %swap3A_27] : memref<256x8xf32, #tpu.memory_space<vmem>>, vector<256x8xf32>
    tpu.vector_store %arg3[%swap3A, %swap3A_27], %select_n3A_26 {strides = array<i32>} : memref<256x8xf32, #tpu.memory_space<vmem>>, vector<256x8xf32>,
    %reshape3A = vector.shape_cast %broadcast_in_dim3A : vector<256x1xf32> to vector<16x16xf32>
    %swap3A_29 = arith.constant 0 : index
    %swap3A_30 = arith.constant 0 : index
    %swap3A_31 = vector.load %arg6[%swap3A_29, %swap3A_30] : memref<16x16xf32, #tpu.memory_space<vmem>>, vector<16x16xf32>
    tpu.vector_store %arg6[%swap3A_29, %swap3A_30], %reshape3A {strides = array<i32>} : memref<16x16xf32, #tpu.memory_space<vmem>>, vector<16x16xf32>,
    %reshape3A_32 = vector.shape_cast %broadcast_in_dim3A_15 : vector<256x1xi32> to vector<16x16xi32>
    %swap3A_33 = arith.constant 0 : index
    %swap3A_34 = arith.constant 0 : index
    %swap3A_35 = vector.load %arg5[%swap3A_33, %swap3A_34] : memref<16x16xi32, #tpu.memory_space<vmem>>, vector<16x16xi32>
    tpu.vector_store %arg5[%swap3A_33, %swap3A_34], %reshape3A_32 {strides = array<i32>} : memref<16x16xi32, #tpu.memory_space<vmem>>, vector<16x16xi32>,
    %iota3A_36 = tpu.iota {dimensions = array<i32: 0>} : vector<256x256xi32>
    %iota3A_37 = tpu.iota {dimensions = array<i32: 1>} : vector<256x256xi32>
    %lt3A = arith.cmpi slt, %iota3A_37, %iota3A_36 : vector<256x256xi32>
    %convert_element_type3A_38 = arith.extui %lt3A : vector<256x256xi1> to vector<256x256xi32>
    %convert_element_type3A_39 = arith.sitofp %convert_element_type3A_38 : vector<256x256xi32> to vector<256x256xf32>
    %dot_general3A_40 = arith.constant dense<0.000000e+00> : vector<256x8xf32>
    %dot_general3A_41 = tpu.matmul %convert_element_type3A_39, %convert_element_type3A_19, %dot_general3A_40 {dimension_numbers = #tpu.dot_dimension_numbers<[1], [0], [0], [1], [0, 0, 1, 1], [], []>, transpose_lhs_hint = false} : vector<256x256xf32>, vector<256x8xf32>, vector<256x8xf32> -> vector<256x8xf32>
    %get3A_42 = arith.constant 0 : index
    %get3A_43 = arith.constant 8 : index
    %get3A_44 = vector.load %arg7[%get3A_42, %get3A_43] : memref<1x16xf32, #tpu.memory_space<vmem>>, vector<1x8xf32>
    %add3A = vector.broadcast %get3A_44 : vector<1x8xf32> to vector<256x8xf32>
    %add3A_45 = arith.addf %dot_general3A_41, %add3A : vector<256x8xf32>
    %mul3A = arith.mulf %convert_element_type3A_19, %add3A_45 : vector<256x8xf32>
    %reduce_sum3A_46 = arith.constant dense<0.000000e+00> : vector<256xf32>
    %reduce_sum3A_47 = vector.multi_reduction <add>, %mul3A, %reduce_sum3A_46 [1] : vector<256x8xf32> to vector<256xf32>
    %broadcast_in_dim3A_48 = vector.shape_cast %reduce_sum3A_47 : vector<256xf32> to vector<256x1xf32>
    %convert_element_type3A_49 = arith.fptosi %broadcast_in_dim3A_48 : vector<256x1xf32> to vector<256x1xi32>
    %reshape3A_50 = vector.shape_cast %convert_element_type3A_49 : vector<256x1xi32> to vector<16x16xi32>
    %swap3A_51 = arith.constant 0 : index
    %swap3A_52 = arith.constant 0 : index
    %swap3A_53 = vector.load %arg4[%swap3A_51, %swap3A_52] : memref<16x16xi32, #tpu.memory_space<vmem>>, vector<16x16xi32>
    tpu.vector_store %arg4[%swap3A_51, %swap3A_52], %reshape3A_50 {strides = array<i32>} : memref<16x16xi32, #tpu.memory_space<vmem>>, vector<16x16xi32>,
    %reduce_sum3A_54 = arith.constant dense<0.000000e+00> : vector<8xf32>
    %reduce_sum3A_55 = vector.multi_reduction <add>, %dot_general3A_9, %reduce_sum3A_54 [0] : vector<256x8xf32> to vector<8xf32>
    %broadcast_in_dim3A_56 = vector.shape_cast %reduce_sum3A_55 : vector<8xf32> to vector<1x8xf32>
    %reduce_sum3A_57 = arith.constant dense<0.000000e+00> : vector<8xf32>
    %reduce_sum3A_58 = vector.multi_reduction <add>, %convert_element_type3A_19, %reduce_sum3A_57 [0] : vector<256x8xf32> to vector<8xf32>
    %broadcast_in_dim3A_59 = vector.shape_cast %reduce_sum3A_58 : vector<8xf32> to vector<1x8xf32>
    %concatenate3A = tpu.concatenate %broadcast_in_dim3A_56, %broadcast_in_dim3A_59 in 1 : vector<1x8xf32>, vector<1x8xf32> -> vector<1x16xf32>
    %get3A_60 = arith.constant 0 : index
    %get3A_61 = arith.constant 0 : index
    %get3A_62 = vector.load %arg7[%get3A_60, %get3A_61] : memref<1x16xf32, #tpu.memory_space<vmem>>, vector<1x16xf32>
    %add3A_63 = arith.addf %get3A_62, %concatenate3A : vector<1x16xf32>
    %swap3A_64 = arith.constant 0 : index
    %swap3A_65 = arith.constant 0 : index
    %swap3A_66 = vector.load %arg7[%swap3A_64, %swap3A_65] : memref<1x16xf32, #tpu.memory_space<vmem>>, vector<1x16xf32>
    tpu.vector_store %arg7[%swap3A_64, %swap3A_65], %add3A_63 {strides = array<i32>} : memref<1x16xf32, #tpu.memory_space<vmem>>, vector<1x16xf32>,
    %eq3A_67 = arith.constant 7 : i32
    %eq3A_68 = arith.cmpi eq, %arg0, %eq3A_67 : i32
    %convert_element_type3A_69 = arith.extui %eq3A_68 : i1 to i32
    %cond3A_70 = arith.constant 0 : i32
    %cond3A_71 = arith.cmpi ne, %convert_element_type3A_69, %cond3A_70 : i32
    scf.if %cond3A_71 {
      %get3A_72 = arith.constant 0 : index
      %get3A_73 = arith.constant 0 : index
      %get3A_74 = vector.load %arg7[%get3A_72, %get3A_73] : memref<1x16xf32, #tpu.memory_space<vmem>>, vector<1x16xf32>
      %slice3A = vector.extract_strided_slice %get3A_74 {offsets = [0, 0], sizes = [1, 8], strides = [1, 1]} : vector<1x16xf32> to vector<1x8xf32>
      %slice3A_75 = vector.extract_strided_slice %get3A_74 {offsets = [0, 8], sizes = [1, 8], strides = [1, 1]} : vector<1x16xf32> to vector<1x8xf32>
      %mul3A_76 = arith.mulf %slice3A, %slice3A_75 : vector<1x8xf32>
      %reduce_sum3A_77 = arith.constant dense<0.000000e+00> : vector<1xf32>
      %reduce_sum3A_78 = vector.multi_reduction <add>, %mul3A_76, %reduce_sum3A_77 [1] : vector<1x8xf32> to vector<1xf32>
      %broadcast_in_dim3A_79 = vector.shape_cast %reduce_sum3A_78 : vector<1xf32> to vector<1x1xf32>
      %mul3A_80 = arith.constant 1.90734863E-6 : f32
      %mul3A_81 = vector.broadcast %mul3A_80 : f32 to vector<1x1xf32>
      %mul3A_82 = arith.mulf %broadcast_in_dim3A_79, %mul3A_81 : vector<1x1xf32>
      %swap3A_83 = arith.constant 0 : index
      %swap3A_84 = arith.constant 0 : index
      %swap3A_85 = vector.load %arg8[%swap3A_83, %swap3A_84] : memref<1x1xf32, #tpu.memory_space<vmem>>, vector<1x1xf32>
      tpu.vector_store %arg8[%swap3A_83, %swap3A_84], %mul3A_82 {strides = array<i32>} : memref<1x1xf32, #tpu.memory_space<vmem>>, vector<1x1xf32>,
      %slice3A_86 = vector.extract_strided_slice %get3A_74 {offsets = [0, 8], sizes = [1, 8], strides = [1, 1]} : vector<1x16xf32> to vector<1x8xf32>
      %broadcast_in_dim3A_87 = arith.constant 0.000000e+00 : f32
      %broadcast_in_dim3A_88 = vector.broadcast %broadcast_in_dim3A_87 : f32 to vector<1x8xf32>
      %concatenate3A_89 = tpu.concatenate %slice3A_86, %broadcast_in_dim3A_88 in 1 : vector<1x8xf32>, vector<1x8xf32> -> vector<1x16xf32>
      %convert_element_type3A_90 = arith.fptosi %concatenate3A_89 : vector<1x16xf32> to vector<1x16xi32>
      %swap3A_91 = arith.constant 0 : index
      %swap3A_92 = arith.constant 0 : index
      %swap3A_93 = vector.load %arg9[%swap3A_91, %swap3A_92] : memref<1x16xi32, #tpu.memory_space<vmem>>, vector<1x16xi32>
      tpu.vector_store %arg9[%swap3A_91, %swap3A_92], %convert_element_type3A_90 {strides = array<i32>} : memref<1x16xi32, #tpu.memory_space<vmem>>, vector<1x16xi32>,
    } else {
    }
    return
  }
  func.func @transform_0(%arg0: i32) -> (i32, i32, i32) {
    %c0_i32 = arith.constant 0 : i32
    %c0_i32_0 = arith.constant 0 : i32
    %c0_i32_1 = arith.constant 0 : i32
    return %arg0, %c0_i32, %c0_i32_0 : i32, i32, i32
  }
  func.func @transform_1(%arg0: i32) -> (i32, i32) {
    %c0_i32 = arith.constant 0 : i32
    %c0_i32_0 = arith.constant 0 : i32
    %c0_i32_1 = arith.constant 0 : i32
    return %c0_i32, %c0_i32_0 : i32, i32
  }
  func.func @transform_2(%arg0: i32) -> (i32, i32) {
    %c0_i32 = arith.constant 0 : i32
    %c0_i32_0 = arith.constant 0 : i32
    return %arg0, %c0_i32 : i32, i32
  }
  func.func @transform_3(%arg0: i32) -> (i32, i32) {
    %c0_i32 = arith.constant 0 : i32
    %c0_i32_0 = arith.constant 0 : i32
    return %arg0, %c0_i32 : i32, i32
  }
  func.func @transform_4(%arg0: i32) -> (i32, i32) {
    %c0_i32 = arith.constant 0 : i32
    %c0_i32_0 = arith.constant 0 : i32
    return %arg0, %c0_i32 : i32, i32
  }
  func.func @transform_5(%arg0: i32) -> (i32, i32) {
    %c0_i32 = arith.constant 0 : i32
    %c0_i32_0 = arith.constant 0 : i32
    return %arg0, %c0_i32 : i32, i32
  }
  func.func @transform_6(%arg0: i32) -> (i32, i32) {
    %c0_i32 = arith.constant 0 : i32
    %c0_i32_0 = arith.constant 0 : i32
    %c0_i32_1 = arith.constant 0 : i32
    return %c0_i32, %c0_i32_0 : i32, i32
  }
  func.func @transform_7(%arg0: i32) -> (i32, i32) {
    %c0_i32 = arith.constant 0 : i32
    %c0_i32_0 = arith.constant 0 : i32
    %c0_i32_1 = arith.constant 0 : i32
    return %c0_i32, %c0_i32_0 : i32, i32
  }
  func.func @transform_8(%arg0: i32) -> (i32, i32) {
    %c0_i32 = arith.constant 0 : i32
    %c0_i32_0 = arith.constant 0 : i32
    %c0_i32_1 = arith.constant 0 : i32
    return %c0_i32, %c0_i32_0 : i32, i32
  }
}

module attributes {stable_mosaic.version = 14 : i64} {
  func.func @_expert_body(%arg0: i32, %arg1: memref<32xi32, #tpu.memory_space<smem>>, %arg2: memref<4096x128xf32, #tpu.memory_space<vmem>>, %arg3: memref<1x128x256xbf16, #tpu.memory_space<vmem>>, %arg4: memref<1x1x256xf32, #tpu.memory_space<vmem>>, %arg5: memref<256x2xf32, #tpu.memory_space<vmem>>, %arg6: memref<256x1xf32, #tpu.memory_space<vmem>>, %arg7: memref<256x1xf32, #tpu.memory_space<vmem>>) attributes {dimension_semantics = [#tpu.dimension_semantics<arbitrary>], iteration_bounds = array<i64: 15>, scalar_prefetch = 1 : i64, scratch_operands = 0 : i64, tpu.core_type = #tpu.core_type<tc>, window_params = [{transform_indices = @transform_0, window_bounds = array<i64: 4096, 128>}, {transform_indices = @transform_1, window_bounds = array<i64: 1, 128, 256>}, {transform_indices = @transform_2, window_bounds = array<i64: 1, 1, 256>}, {pipeline_mode = #tpu.pipeline_mode<synchronous>, transform_indices = @transform_3, window_bounds = array<i64: 256, 2>}, {transform_indices = @transform_4, window_bounds = array<i64: 256, 1>}, {transform_indices = @transform_5, window_bounds = array<i64: 256, 1>}]} {
    %get3A = arith.index_cast %arg0 : i32 to index
    %get3A_0 = memref.load %arg1[%get3A] : memref<32xi32, #tpu.memory_space<smem>>
    %ge3A = arith.constant 0 : i32
    %ge3A_1 = arith.cmpi sge, %get3A_0, %ge3A : i32
    %convert_element_type3A = arith.extui %ge3A_1 : i1 to i32
    %cond3A = arith.constant 0 : i32
    %cond3A_2 = arith.cmpi ne, %convert_element_type3A, %cond3A : i32
    scf.if %cond3A_2 {
      %get3A_3 = arith.constant 0 : index
      %get3A_4 = arith.constant 0 : index
      %get3A_5 = vector.load %arg2[%get3A_3, %get3A_4] : memref<4096x128xf32, #tpu.memory_space<vmem>>, vector<4096x128xf32>
      %convert_element_type3A_6 = arith.truncf %get3A_5 : vector<4096x128xf32> to vector<4096x128xbf16>
      %get3A_7 = arith.constant 0 : index
      %get3A_8 = arith.constant 0 : index
      %get3A_9 = arith.constant 0 : index
      %get3A_10 = vector.load %arg3[%get3A_7, %get3A_8, %get3A_9] : memref<1x128x256xbf16, #tpu.memory_space<vmem>>, vector<1x128x256xbf16>
      %get3A_11 = vector.shape_cast %get3A_10 : vector<1x128x256xbf16> to vector<128x256xbf16>
      %dot_general3A = arith.constant dense<0.000000e+00> : vector<4096x256xf32>
      %dot_general3A_12 = tpu.matmul %convert_element_type3A_6, %get3A_11, %dot_general3A {dimension_numbers = #tpu.dot_dimension_numbers<[1], [0], [0], [1], [0, 0, 1, 1], [], []>, transpose_lhs_hint = false} : vector<4096x128xbf16>, vector<128x256xbf16>, vector<4096x256xf32> -> vector<4096x256xf32>
      %get3A_13 = arith.constant 0 : index
      %get3A_14 = arith.constant 0 : index
      %get3A_15 = arith.constant 0 : index
      %get3A_16 = vector.load %arg4[%get3A_13, %get3A_14, %get3A_15] : memref<1x1x256xf32, #tpu.memory_space<vmem>>, vector<1x1x256xf32>
      %get3A_17 = vector.shape_cast %get3A_16 : vector<1x1x256xf32> to vector<1x256xf32>
      %add3A = vector.broadcast %get3A_17 : vector<1x256xf32> to vector<4096x256xf32>
      %add3A_18 = arith.addf %dot_general3A_12, %add3A : vector<4096x256xf32>
      %mul3A = arith.mulf %add3A_18, %add3A_18 : vector<4096x256xf32>
      %mul3A_19 = arith.mulf %mul3A, %add3A_18 : vector<4096x256xf32>
      %get3A_20 = arith.constant 0 : index
      %get3A_21 = arith.constant 0 : index
      %get3A_22 = vector.load %arg5[%get3A_20, %get3A_21] : memref<256x2xf32, #tpu.memory_space<vmem>>, vector<256x2xf32>
      %dot_general3A_23 = arith.constant dense<0.000000e+00> : vector<4096x2xf32>
      %dot_general3A_24 = tpu.matmul %mul3A_19, %get3A_22, %dot_general3A_23 {dimension_numbers = #tpu.dot_dimension_numbers<[1], [0], [0], [1], [0, 0, 1, 1], [], []>, transpose_lhs_hint = false} : vector<4096x256xf32>, vector<256x2xf32>, vector<4096x2xf32> -> vector<4096x2xf32>
      %reshape3A = vector.shape_cast %dot_general3A_24 : vector<4096x2xf32> to vector<256x16x2xf32>
      %reduce_sum3A = arith.constant dense<0.000000e+00> : vector<256x2xf32>
      %reduce_sum3A_25 = vector.multi_reduction <add>, %reshape3A, %reduce_sum3A [1] : vector<256x16x2xf32> to vector<256x2xf32>
      %slice3A = vector.extract_strided_slice %reduce_sum3A_25 {offsets = [0, 0], sizes = [256, 1], strides = [1, 1]} : vector<256x2xf32> to vector<256x1xf32>
      %swap3A = arith.constant 0 : index
      %swap3A_26 = arith.constant 0 : index
      %swap3A_27 = vector.load %arg6[%swap3A, %swap3A_26] : memref<256x1xf32, #tpu.memory_space<vmem>>, vector<256x1xf32>
      tpu.vector_store %arg6[%swap3A, %swap3A_26], %slice3A {strides = array<i32>} : memref<256x1xf32, #tpu.memory_space<vmem>>, vector<256x1xf32>,
      %slice3A_28 = vector.extract_strided_slice %reduce_sum3A_25 {offsets = [0, 1], sizes = [256, 1], strides = [1, 1]} : vector<256x2xf32> to vector<256x1xf32>
      %swap3A_29 = arith.constant 0 : index
      %swap3A_30 = arith.constant 0 : index
      %swap3A_31 = vector.load %arg7[%swap3A_29, %swap3A_30] : memref<256x1xf32, #tpu.memory_space<vmem>>, vector<256x1xf32>
      tpu.vector_store %arg7[%swap3A_29, %swap3A_30], %slice3A_28 {strides = array<i32>} : memref<256x1xf32, #tpu.memory_space<vmem>>, vector<256x1xf32>,
    } else {
    }
    return
  }
  func.func @transform_0(%arg0: i32, %arg1: memref<32xi32, #tpu.memory_space<smem>>) -> (i32, i32) {
    %get3A = arith.index_cast %arg0 : i32 to index
    %get3A_0 = memref.load %arg1[%get3A] : memref<32xi32, #tpu.memory_space<smem>>
    %ge3A = arith.constant 0 : i32
    %ge3A_1 = arith.cmpi sge, %get3A_0, %ge3A : i32
    %jit3A = arith.constant 0 : i32
    %select_n3A = arith.select %ge3A_1, %arg0, %jit3A : i32
    %c0_i32 = arith.constant 0 : i32
    %c0_i32_2 = arith.constant 0 : i32
    return %select_n3A, %c0_i32 : i32, i32
  }
  func.func @transform_1(%arg0: i32, %arg1: memref<32xi32, #tpu.memory_space<smem>>) -> (i32, i32, i32) {
    %get3A = arith.index_cast %arg0 : i32 to index
    %get3A_0 = memref.load %arg1[%get3A] : memref<32xi32, #tpu.memory_space<smem>>
    %max3A = arith.constant 0 : i32
    %max3A_1 = arith.maxsi %get3A_0, %max3A : i32
    %c0_i32 = arith.constant 0 : i32
    %c0_i32_2 = arith.constant 0 : i32
    %c0_i32_3 = arith.constant 0 : i32
    return %max3A_1, %c0_i32, %c0_i32_2 : i32, i32, i32
  }
  func.func @transform_2(%arg0: i32, %arg1: memref<32xi32, #tpu.memory_space<smem>>) -> (i32, i32, i32) {
    %get3A = arith.index_cast %arg0 : i32 to index
    %get3A_0 = memref.load %arg1[%get3A] : memref<32xi32, #tpu.memory_space<smem>>
    %max3A = arith.constant 0 : i32
    %max3A_1 = arith.maxsi %get3A_0, %max3A : i32
    %c0_i32 = arith.constant 0 : i32
    %c0_i32_2 = arith.constant 0 : i32
    %c0_i32_3 = arith.constant 0 : i32
    return %max3A_1, %c0_i32, %c0_i32_2 : i32, i32, i32
  }
  func.func @transform_3(%arg0: i32, %arg1: memref<32xi32, #tpu.memory_space<smem>>) -> (i32, i32) {
    %c0_i32 = arith.constant 0 : i32
    %c0_i32_0 = arith.constant 0 : i32
    %c0_i32_1 = arith.constant 0 : i32
    return %c0_i32, %c0_i32_0 : i32, i32
  }
  func.func @transform_4(%arg0: i32, %arg1: memref<32xi32, #tpu.memory_space<smem>>) -> (i32, i32) {
    %c0_i32 = arith.constant 0 : i32
    %c0_i32_0 = arith.constant 0 : i32
    return %arg0, %c0_i32 : i32, i32
  }
  func.func @transform_5(%arg0: i32, %arg1: memref<32xi32, #tpu.memory_space<smem>>) -> (i32, i32) {
    %c0_i32 = arith.constant 0 : i32
    %c0_i32_0 = arith.constant 0 : i32
    return %arg0, %c0_i32 : i32, i32
  }
}

</mosaic_0001>

<sc_bundles>
// kernel: kernel.6.cloned.1.call-start
scs
__scs_entry_jumppad:
0x0: {  	(pc) =	sbr.rel $0x88, $3  }
0x1: {  	(tag) =	ssettag $0x0;
	lr =	simm.s32 $0x1  }
0x2: {  	[smem:$0x3F9D] =	sst lr;
	_ =	strace $0xD0000000  }
0x3: {  	_ = 	snop  }
0x4: {  	_ = 	snop  }
0x5: {  	_ = 	snop  }
0x6: {  	_ = 	snop  }
0x7: {  	_ = 	snop  }
__scs_overlays_trampoline_lowered:
0x8: {  	[smem:$0x3FAC] =	sst s0  }
0x9: {  	[smem:$0x3FAD] =	sst s1  }
0xa: {  	[smem:$0x3FAE] =	sst s2  }
0xb: {  	[smem:$0x3FAF] =	sst s3  }
0xc: {  	[smem:$0x3FB0] =	sst s4  }
0xd: {  	[smem:$0x3FB1] =	sst s5  }
0xe: {  	[smem:$0x3FB2] =	sst s6  }
0xf: {  	[smem:$0x3FB3] =	sst s7  }
0x10: {  	[smem:$0x3FB4] =	sst s8  }
0x11: {  	[smem:$0x3FB5] =	sst s9;
	s0 =	simm.s32 @!p0 $0x0  }
0x12: {  	s1 =	sld [smem:$0x3F9B];
	s0 =	simm.s32 @p0 $0x1  }
0x13: {  	[smem:$0x3FB6] =	sst s0;
	s0 =	simm.s32 @!p1 $0x0  }
0x14: {  	s2 =	sld [smem:$0x3F9A];
	s0 =	simm.s32 @p1 $0x1  }
0x15: {  	[smem:$0x3FB7] =	sst s0;
	s0 =	simm.s32 @!p2 $0x0  }
0x16: {  	s3 =	sld [smem:$0x3FDB];
	s0 =	simm.s32 @p2 $0x1  }
0x17: {  	s4 =	simm.s32 $0x1BF5;
	[smem:$0x3FB9] =	sst s0  }
0x18: {  	s0 =	sld [smem:$0x3F9C];
	_ =	swait.ge [sflag:s4], $0x0  }
0x19: {  	s7 =	sld [smem:$0x3F9D]  }
0x1a: {  	s8 =	sadd.s32 $0xFFFFE003, lr  }
0x1b: {  	s9 =	sadd.s32 $0xFFFFFEF7, lr;
	s5 =	simm.s32 $0xFFFFFFFF;
	p2 =	slt.u32 s8, $0xFFFFF086  }
0x1c: {  	p1 =	slt.u32 s9, $0xF7A;
	s5 =	simm.s32 @!p2 $0x0  }
0x1d: {  	s5 =	simm.s32 @p1 $0x1;
	p0 =	seq.s32 s7, s2  }
0x1e: {  	s7 =	smul.u32 @!p0 $0xF7A, s2;
	p2 =	seq.s32 @!p0 s5, $0x0  }
0x1f: {  	s9 =	smul.u32 $0xF7A, s1;
	s8 =	simm.s32 @!p0 $0x1BF5;
	p2 =	por !p2, p0  }
0x20: {  	[sflag:s8] =	ssyncset.s32 @!p0 $0xFFFFF086;
	s6 =	sadd.s32 @!p0 s3, s7;
	s7 =	simm.s32 @!p0 $0x108  }
0x21: {  	s3 =	sadd.s32 s3, s9;
	s6 =	sadd.s32 @!p0 $0x88, s6;
	s7 =	simm.s32 @p2 $0x1082  }
0x22: {  	[simem:s7], [sflag:s8] =	dma.local @!p0 [hbm:s6], $0xF7A  }
0x23: {  	s9 =	sor.u32 $0xD0000000, s2;
	s6 =	simm.s32 $0x108;
	_ =	swait.ge @!p0 [sflag:s8], $0x0  }
0x24: {  	s3 =	sadd.s32 $0x88, s3;
	s6 =	simm.s32 @!p1 $0x1082;
	[sflag:s4] =	ssyncset.s32 $0xFFFFF086  }
0x25: {  	[simem:s6], [sflag:s4] =	dma.local [hbm:s3], $0xF7A  }
0x26: {  	[smem:$0x3F9D] =	sst s1;
	(tag) =	ssettag s2;
	_ =	strace s9  }
0x27: {  	s1 =	sld [smem:$0x3FAD]  }
0x28: {  	s2 =	sld [smem:$0x3FAE]  }
0x29: {  	s4 =	sld [smem:$0x3FB0]  }
0x2a: {  	p0 =	seq.s32 s5, $0x0;
	s5 =	sld [smem:$0x3FB1]  }
0x2b: {  	s6 =	sld [smem:$0x3FB2]  }
0x2c: {  	s7 =	sld [smem:$0x3FB3]  }
0x2d: {  	s3 =	simm.s32 $0x108;
	s8 =	sld [smem:$0x3FB4]  }
0x2e: {  	s3 =	simm.s32 @!p0 $0x1082;
	s9 =	sld [smem:$0x3FB5]  }
0x2f: {  	lr =	sadd.s32 s0, s3;
	s0 =	sld [smem:$0x3FAC]  }
0x30: {  	s3 =	sld [smem:$0x3FAF]  }
0x31: {  	[smem:$0x3FB8] =	sst s10  }
0x32: {  	s10 =	sld [smem:$0x3FB6];
	_ =	sdelay $0x3  }
0x33: {  	p0 =	seq.s32 s10, $0x1;
	s10 =	sld [smem:$0x3FB8];
	_ =	sdelay $0x3  }
0x34: {  	[smem:$0x3FB8] =	sst s10  }
0x35: {  	s10 =	sld [smem:$0x3FB7];
	_ =	sdelay $0x3  }
0x36: {  	p1 =	seq.s32 s10, $0x1;
	s10 =	sld [smem:$0x3FB8];
	_ =	sdelay $0x3  }
0x37: {  	[smem:$0x3FB8] =	sst s10  }
0x38: {  	s10 =	sld [smem:$0x3FB9]  }
0x39: {  	_ = 	snop;
	(pc) =	sbr.ind lr, $3  }
0x3a: {  	_ = 	snop  }
0x3b: {  	_ = 	snop  }
0x3c: {  	p2 =	seq.s32 s10, $0x1;
	s10 =	sld [smem:$0x3FB8]  }
0x3d: {  	_ =	shalt  }
0x3e: {  	_ =	shalt  }
0x3f: {  	_ =	shalt  }
0x40: {  	_ =	shalt  }
0x41: {  	_ =	shalt  }
0x42: {  	_ =	shalt  }
0x43: {  	_ =	shalt  }
0x44: {  	_ =	shalt  }
0x45: {  	_ =	shalt  }
0x46: {  	_ =	shalt  }
0x47: {  	_ =	shalt  }
0x48: {  	_ =	shalt  }
0x49: {  	_ =	shalt  }
0x4a: {  	_ =	shalt  }
0x4b: {  	_ =	shalt  }
0x4c: {  	_ =	shalt  }
0x4d: {  	_ =	shalt  }
0x4e: {  	_ =	shalt  }
0x4f: {  	_ =	shalt  }
0x50: {  	_ =	shalt  }
0x51: {  	_ =	shalt  }
0x52: {  	_ =	shalt  }
0x53: {  	_ =	shalt  }
0x54: {  	_ =	shalt  }
0x55: {  	_ =	shalt  }
0x56: {  	_ =	shalt  }
0x57: {  	_ =	shalt  }
0x58: {  	_ =	shalt  }
0x59: {  	_ =	shalt  }
0x5a: {  	_ =	shalt  }
0x5b: {  	_ =	shalt  }
0x5c: {  	_ =	shalt  }
0x5d: {  	_ =	shalt  }
0x5e: {  	_ =	shalt  }
0x5f: {  	_ =	shalt  }
0x60: {  	_ =	shalt  }
0x61: {  	_ =	shalt  }
0x62: {  	_ =	shalt  }
0x63: {  	_ =	shalt  }
0x64: {  	_ =	shalt  }
0x65: {  	_ =	shalt  }
0x66: {  	_ =	shalt  }
0x67: {  	_ =	shalt  }
0x68: {  	_ =	shalt  }
0x69: {  	_ =	shalt  }
0x6a: {  	_ =	shalt  }
0x6b: {  	_ =	shalt  }
0x6c: {  	_ =	shalt  }
0x6d: {  	_ =	shalt  }
0x6e: {  	_ =	shalt  }
0x6f: {  	_ =	shalt  }
0x70: {  	_ =	shalt  }
0x71: {  	_ =	shalt  }
0x72: {  	_ =	shalt  }
0x73: {  	_ =	shalt  }
0x74: {  	_ =	shalt  }
0x75: {  	_ =	shalt  }
0x76: {  	_ =	shalt  }
0x77: {  	_ =	shalt  }
0x78: {  	_ =	shalt  }
0x79: {  	_ =	shalt  }
0x7a: {  	_ =	shalt  }
0x7b: {  	_ =	shalt  }
0x7c: {  	_ =	shalt  }
0x7d: {  	_ =	shalt  }
0x7e: {  	_ =	shalt  }
0x7f: {  	_ =	shalt  }
0x80: {  	_ =	shalt  }
0x81: {  	_ =	shalt  }
0x82: {  	_ =	shalt  }
0x83: {  	_ =	shalt  }
0x84: {  	_ =	shalt  }
0x85: {  	_ =	shalt  }
0x86: {  	_ =	shalt  }
0x87: {  	_ =	shalt  }
.Lfunc_end0:
.L_simem_size_0:
called_computation_lowered:
.L_overlay_start_0:
0x88: {  	s2 =	sld [smem:$0x3FD9]  }
0x89: {  	s3 =	sld [smem:$0x3FFE];
	_ =	sdelay $0x1  }
0x8a: {  	s1 =	srdreg.scid  }
0x8b: {  	s0 =	sand.u32 $0x1, s1  }
0x8c: {  	s14 =	sshll.u32 s0, $0xA;
	s2 =	sadd.s32 s3, s2  }
0x8d: {  	s2 =	sadd.s32 s2, s14  }
0x8e: {  	[smem:$0x3FC4] =	sst s2  }
0x8f: {  	_ = 	snop  }
0x90: {  	s2 =	sld [smem:$0x3FD0];
	_ =	sdelay $0x2  }
0x91: {  	s4 =	simm.s32 $0xA;
	s5 =	simm.s32 $0x10;
	s15 =	sld [smem:$0x3FC9]  }
0x92: {  	[smem:s5], [sflag:s4] =	dma.local [hbm:s2], $0x1  }
0x93: {  	_ =	swait.eq [sflag:s4], $0x1  }
0x94: {  	[sflag:s4] =	ssyncset.done $0x0  }
0x95: {  	s16 =	sld [smem:$0x10];
	[sflag:s4] =	ssyncadd.s32 $0xFFFFFFFF  }
0x96: {  	s17 =	sld [smem:$0x11];
	(tm) =	ssettm $0x1  }
0x97: {  	s18 =	sld [smem:$0x3FFB];
	_ =	sdelay $0x3  }
0x98: {  	_ =	strace s18  }
0x99: {  	s5 =	sld [smem:$0x3FFC];
	_ =	sdelay $0x3  }
0x9a: {  	_ =	strace s5  }
0x9b: {  	s5 =	sld [smem:$0x3FFD];
	_ =	sdelay $0x3  }
0x9c: {  	_ =	strace s5  }
0x9d: {  	_ =	strace $0x8FFFFFFF  }
0x9e: {  	s19 =	sld [smem:$0x3FDB];
	_ =	sdelay $0x1  }
0x9f: {  	s6 =	simm.s32 $_scs_section_size  }
0xa0: {  	s7 =	simm.s32 $_size__tile_overlayer_lowered;
	s8 =	simm.s32 $_tile_overlayer_lowered  }
0xa1: {  	s22 =	simm.s32 $0x1BFF;
	s21 =	sshll.u32 s8, $0x1;
	s5 =	sadd.s32 s6, s19  }
0xa2: {  	s9 =	simm.s32 $0x0;
	s20 =	sshll.u32 s7, $0x1;
	s7 =	sadd.s32 s21, s5  }
0xa3: {  	[timem:s9], [sflag:s22] =	dma.local [hbm:s7], s20  }
0xa4: {  	_ =	swait.ge [sflag:s22], s20  }
0xa5: {  	s6 =	ssub.s32 $0x0, s20;
	[sflag:s22] =	ssyncset.done $0x0  }
0xa6: {  	[sflag:s22] =	ssyncadd.s32 s6;
	_ =	sdelay $0x1  }
0xa7: {  	s23 =	simm.s32 $0x1B8B  }
0xa8: {  	_ =	swait.ge [sflag:s23], $0x1  }
0xa9: {  	[sflag:s23] =	ssyncset.done $0x0  }
0xaa: {  	s25 =	simm.s32 $0x1B8E;
	s24 =	sld [smem:$0x3FFE];
	[sflag:s23] =	ssyncadd.s32 $0xFFFFFFFF  }
0xab: {  	s26 =	simm.s32 $execute0_lowered;
	[smem:$0x3FD2] =	sst s25  }
0xac: {  	s7 =	sshll.u32 s26, $0x1;
	_ =	strace $0x80000046;
	[dreg:$0x1] =	wrdreg $0xFFFFFFFF  }
0xad: {  	s28 =	simm.s32 $_size_execute0_lowered;
	s5 =	sadd.s32 s5, s7;
	[dreg:$0x0] =	wrdreg $0x0  }
0xae: {  	s7 =	sshll.u32 s28, $0x1;
	[dreg:$0x2] =	wrdreg s5  }
0xaf: {  	[dreg:$0x3] =	wrdreg s7  }
0xb0: {  	[dreg:$0x4] =	wrdreg $0xC0  }
0xb1: {  	_ =	task [dreg:s9], $0x5FFFF  }
0xb2: {  	[dreg:$0x1] =	wrdreg $0xFFFFFFFF  }
0xb3: {  	[dreg:$0x0] =	wrdreg $0x60  }
0xb4: {  	[dreg:$0x2] =	wrdreg s16  }
0xb5: {  	[dreg:$0x3] =	wrdreg s17  }
0xb6: {  	[dreg:$0x4] =	wrdreg s24  }
0xb7: {  	[dreg:$0x5] =	wrdreg s15  }
0xb8: {  	[dreg:$0x6] =	wrdreg $0x9  }
0xb9: {  	_ =	task.clear_ibuf [dreg:s9], $0x7FFFF;
	_ =	strace $0x90000046  }
0xba: {  	s29 =	simm.s32 $0x9;
	_ =	strace $0x80000048  }
0xbb: {  	_ =	swait.ge [sflag:s29], $0x1  }
0xbc: {  	[sflag:s29] =	ssyncadd.s32 $0xFFFFFFFF  }
0xbd: {  	_ =	strace $0x90000048  }
0xbe: {  	_ =	sfence  }
0xbf: {  	s30 =	sld [smem:$0x0];
	_ =	sdelay $0x2  }
0xc0: {  	s31 =	sshll.u32 s1, $0xD;
	s1 =	sshrl.u32 s1, $0x2  }
0xc1: {  	s3 =	sand.u32 $0x4000, s31;
	s1 =	sadd.s32 s1, s30  }
0xc2: {  	s0 =	sor.u32 s3, s0;
	s1 =	sshll.u32 s1, $0x11  }
0xc3: {  	s0 =	sor.u32 s1, s0  }
0xc4: {  	s0 =	sadd.s32 $0x8F2B, s0  }
0xc5: {  	[sflag:s0] =	ssyncadd.remote.s32 $0x1  }
0xc6: {  	_ =	sfence.sel $0xFFFF  }
0xc7: {  	[dreg:$0x0] =	wrdreg $0xFFFFFFFF;
	(pc) =	sbr.abs _section_cstart, $3  }
0xc8: {  	[dreg:$0x1] =	wrdreg $0xFFFFFFFF  }
0xc9: {  	_ =	task.clear_ibuf [dreg:s9], $0x2FFFF;
	_ =	strace $0x9FFFFFFF  }
0xca: {  	(tm) =	ssettm $0x7FFFFFFF  }
0xcb: {  	_ =	shalt  }
tec
execute0_lowered:
.L_overlay_start_1:
0x0: {  	(tag) =	ssettag $0x1  }
0x1: {  	s0 =	rddreg [dreg:$0x0]  }
0x2: {  	s3 =	rddreg [dreg:$0x1]  }
0x3: {  	s5 =	rddreg [dreg:$0x2]  }
0x4: {  	s4 =	rddreg [dreg:$0x3];
	s6 =	srdreg.scid;
	s2 =	simm.s32 $0x0  }
0x5: {  	s1 =	stileid.u32;
	s30 =	simm.s32 $0x80;
	s31 =	simm.s32 $0x280  }
0x6: {  	s11 =	simm.s32 $0x10;
	s12 =	simm.s32 $0x3;
	[dreg:$0x5] =	wrdreg s0  }
0x7: {  	s14 =	simm.s32 $0x500;
	s13 =	simm.s32 $0x2;
	s0 =	rddreg [dreg:$0x4]  }
0x8: {  	s15 =	simm.s32 $0x580;
	[smem:$0x7FF] =	sst s2;
	s9 =	sadd.s32 $0x2A00, s5  }
0x9: {  	s6 =	sand.u32 $0x1, s6;
	_ =	strace $0x80000047;
	[dreg:$0x6] =	wrdreg s9  }
0xa: {  	s7 =	sshll.u32 s1, $0x7;
	s10 =	sshll.u32 s1, $0x1;
	[dreg:$0xe] =	wrdreg s30  }
0xb: {  	s8 =	sshll.u32 s6, $0x6;
	s23 =	sor.u32 s6, s10;
	[dreg:$0xf] =	wrdreg s31  }
0xc: {  	s6 =	ssub.s32 $0x2, s6;
	s9 =	simm.s32 $0x8780;
	[dreg:$0x10] =	wrdreg s14  }
0xd: {  	s10 =	simm.s32 $0x1;
	s14 =	simm.s32 $0x4;
	[dreg:$0x11] =	wrdreg s15  }
0xe: {  	s15 =	simm.s32 $0x600;
	s7 =	sor.u32 s8, s7;
	s25 =	sshll.u32 s23, $0xE  }
0xf: {  	s28 =	sshrl.u32 s6, $0x1;
	s8 =	sadd.s32 s7, s5;
	s3 =	sadd.s32 s3, s7  }
0x10: {  	p0 =	sne.s32 s23, $0x0;
	[dreg:$0x7] =	wrdreg s3;
	s24 =	sadd.s32 $0x1A00, s8  }
0x11: {  	s8 =	sadd.s32 $0xF2C00, s8;
	s3 =	sadd.s32 s4, s25;
	[dreg:$0x8] =	wrdreg s24  }
0x12: {  	s4 =	sadd.s32 $0x2C00, s5;
	s5 =	sadd.s32 $0x2A02, s5;
	[dreg:$0x9] =	wrdreg s8  }
0x13: {  	v0 =	vlaneseq.u32;
	s6 =	ssub.s32 s6, s28;
	s7 =	sadd.s32 $0x1000, s3;
	[dreg:$0xd] =	wrdreg s5  }
0x14: {  	v0 =	vmul.u32 $0x100, v0;
	s26 =	sadd.s32 $0x2000, s3;
	s29 =	sadd.s32 $0x3000, s3;
	[dreg:$0xa] =	wrdreg s7  }
0x15: {  	v2 =	vimm.s32 $0x0;
	s5 =	smax.u32 s6, $0x1;
	s6 =	simm.s32 $0x5;
	[dreg:$0xb] =	wrdreg s26  }
0x16: {  	v1 =	vor.u32 $0x1, v0;
	v3 =	vor.u32 $0x1001, v0;
	v4 =	vor.u32 $0x1000, v0;
	s8 =	simm.s32 $0x780;
	[dreg:$0xc] =	wrdreg s29;
	s7 =	simm.s32 $0x480  }
.LBB2_1:
0x17: {  	s16 =	rddreg [dreg:$0x5]  }
0x18: {  	[tilespmem:s2], [sflag:$0x5] =	stream.linear.gather [hbm4b:s16+s2], $0x80, $0x38;
	[tilespmem:$0x10780] =	vst v63  }
0x19: {  	_ =	swait.ge [sflag:s6], $0x80  }
0x1a: {  	[sflag:s6] =	ssyncset.done $0x0  }
0x1b: {  	[sflag:s6] =	ssyncadd.s32 $0xFFFFFF80  }
0x1c: {  	v5 =	vld [tilespmem:$0x0];
	_ =	sdelay $0x4  }
0x1d: {  	v5 =	vadd.s32 $0xFF, v5  }
0x1e: {  	v5 =	vand.u32 $0xFFFFFF00, v5  }
0x1f: {  	(v2sf) =	vpush v5, $0x0  }
0x20: {  	(v2sf) =	vpush v5, $0x1  }
0x21: {  	(v2sf) =	vpush v5, $0x2  }
0x22: {  	(v2sf) =	vpush v5, $0x3  }
0x23: {  	(v2sf) =	vpush v5, $0x4  }
0x24: {  	(v2sf) =	vpush v5, $0x5  }
0x25: {  	(v2sf) =	vpush v5, $0x6  }
0x26: {  	(v2sf) =	vpush v5, $0x7;
	_ =	sdelay $0x4  }
0x27: {  	s22 =	rddreg [dreg:$0x7]  }
0x28: {  	s24 =	rddreg [dreg:$0xe]  }
0x29: {  	[tilespmem:s24], [sflag:$0x5] =	stream.linear.gather [hbm4b:s22+s2], $0x200, $0x38;
	[tilespmem:$0x10780] =	vst v63  }
0x2a: {  	s17 =	spop (v2sf)  }
0x2b: {  	s18 =	spop (v2sf)  }
0x2c: {  	s19 =	spop (v2sf)  }
0x2d: {  	s20 =	spop (v2sf)  }
0x2e: {  	s21 =	spop (v2sf)  }
0x2f: {  	s23 =	spop (v2sf)  }
0x30: {  	s25 =	spop (v2sf)  }
0x31: {  	s16 =	spop (v2sf)  }
0x32: {  	_ =	swait.ge [sflag:s6], $0x200  }
0x33: {  	s30 =	rddreg [dreg:$0x8];
	[sflag:s6] =	ssyncset.done $0x0  }
0x34: {  	s31 =	rddreg [dreg:$0xf];
	[sflag:s6] =	ssyncadd.s32 $0xFFFFFE00  }
0x35: {  	[tilespmem:s31], [sflag:$0x5] =	stream.linear.gather [hbm4b:s30+s2], $0x200, $0x38;
	[tilespmem:$0x10780] =	vst v63  }
0x36: {  	_ =	swait.ge [sflag:s6], $0x200  }
0x37: {  	[sflag:s6] =	ssyncset.done $0x0  }
0x38: {  	s17 =	sadd.s32 s18, s17;
	[sflag:s6] =	ssyncadd.s32 $0xFFFFFE00  }
0x39: {  	s18 =	sadd.s32 s19, s17;
	v11 =	vld [tilespmem:$0x80]  }
0x3a: {  	s22 =	sadd.s32 s20, s18  }
0x3b: {  	v7 =	vmov s17;
	s17 =	sadd.s32 s21, s22;
	v15 =	vld [tilespmem:$0x100]  }
0x3c: {  	v6 =	vbroadcast v5, $0x0;
	v8 =	vmov s18;
	s23 =	sadd.s32 s23, s17  }
0x3d: {  	v5 =	vmov s22;
	v26 =	vmov s17;
	v27 =	vmov s23;
	s24 =	sadd.s32 s25, s23  }
0x3e: {  	v30 =	vmov s24;
	vm0 =	veq.s32 v11, $0x1;
	vm1 =	veq.s32 v11, $0x2  }
0x3f: {  	vm8 =	veq.s32 v11, $0x3;
	vm9 =	veq.s32 v11, $0x4;
	vm10 =	veq.s32 v11, $0x5  }
0x40: {  	vm11 =	veq.s32 v11, $0x6;
	vm12 =	veq.s32 v11, $0x7;
	vm13 =	veq.s32 v15, $0x1  }
0x41: {  	vm14 =	veq.s32 v15, $0x2;
	vm15 =	veq.s32 v15, $0x3;
	vm4 =	veq.s32 v15, $0x4  }
0x42: {  	v17 =	vld [tilespmem:$0x180];
	vm5 =	veq.s32 v15, $0x5;
	vm6 =	veq.s32 v15, $0x6;
	vm7 =	veq.s32 v15, $0x7  }
0x43: {  	v10 =	vnsel vm0, $0x0, v6;
	v12 =	vnsel vm1, $0x0, v7;
	v13 =	vnsel vm8, $0x0, v8  }
0x44: {  	v14 =	vnsel vm9, $0x0, v5;
	v28 =	vnsel vm10, $0x0, v26;
	v16 =	vnsel vm11, $0x0, v27  }
0x45: {  	v39 =	vld [tilespmem:$0x200];
	v31 =	vnsel vm12, $0x0, v30;
	v32 =	vnsel vm13, $0x0, v6;
	v33 =	vnsel vm14, $0x0, v7  }
0x46: {  	v9 =	vld [tilespmem:$0x280];
	v18 =	vnsel vm15, $0x0, v8;
	v34 =	vnsel vm4, $0x0, v5;
	v19 =	vnsel vm5, $0x0, v26  }
0x47: {  	v36 =	vnsel vm6, $0x0, v27;
	v15 =	vnsel vm7, $0x0, v30;
	vm8 =	veq.s32 v17, $0x2  }
0x48: {  	vm9 =	veq.s32 v17, $0x1;
	vm10 =	veq.s32 v17, $0x3;
	vm11 =	veq.s32 v17, $0x4  }
0x49: {  	v29 =	vld [tilespmem:$0x300];
	vm12 =	veq.s32 v17, $0x5;
	vm13 =	veq.s32 v17, $0x6;
	vm14 =	veq.s32 v17, $0x7  }
0x4a: {  	vm15 =	veq.s32 v39, $0x2;
	vm4 =	veq.s32 v39, $0x1;
	vm5 =	veq.s32 v39, $0x3  }
0x4b: {  	vm6 =	veq.s32 v39, $0x4;
	vm7 =	veq.s32 v39, $0x5;
	v12 =	vadd.s32 v9, v12  }
0x4c: {  	v37 =	vnsel vm8, $0x0, v7;
	v38 =	vnsel vm9, $0x0, v6;
	v12 =	vadd.s32 v10, v12  }
0x4d: {  	v40 =	vnsel vm10, $0x0, v8;
	v41 =	vnsel vm11, $0x0, v5;
	v12 =	vadd.s32 v13, v12  }
0x4e: {  	v35 =	vld [tilespmem:$0x380];
	v43 =	vnsel vm12, $0x0, v26;
	v12 =	vadd.s32 v14, v12;
	v14 =	vadd.s32 v29, v33  }
0x4f: {  	v42 =	vld [tilespmem:$0x400];
	v44 =	vnsel vm13, $0x0, v27;
	v17 =	vnsel vm14, $0x0, v30;
	v13 =	vadd.s32 v32, v14  }
0x50: {  	v45 =	vnsel vm15, $0x0, v7;
	v46 =	vnsel vm4, $0x0, v6;
	v13 =	vadd.s32 v18, v13  }
0x51: {  	v47 =	vnsel vm5, $0x0, v8;
	v48 =	vnsel vm6, $0x0, v5;
	v13 =	vadd.s32 v34, v13  }
0x52: {  	v49 =	vnsel vm7, $0x0, v26;
	vm8 =	veq.s32 v39, $0x6;
	v13 =	vadd.s32 v19, v13  }
0x53: {  	vm9 =	veq.s32 v39, $0x7;
	v14 =	vadd.s32 v35, v37;
	v13 =	vadd.s32 v36, v13  }
0x54: {  	v14 =	vadd.s32 v38, v14;
	v13 =	vadd.s32 v15, v13;
	v15 =	vadd.s32 v42, v45  }
0x55: {  	v12 =	vadd.s32 v28, v12;
	v14 =	vadd.s32 v40, v14;
	v15 =	vadd.s32 v46, v15  }
0x56: {  	v12 =	vadd.s32 v16, v12;
	v14 =	vadd.s32 v41, v14;
	v15 =	vadd.s32 v47, v15  }
0x57: {  	v12 =	vadd.s32 v31, v12;
	v14 =	vadd.s32 v43, v14;
	v15 =	vadd.s32 v48, v15  }
0x58: {  	v50 =	vnsel vm8, $0x0, v27;
	[tilespmem:$0x480] =	vst v12;
	v14 =	vadd.s32 v44, v14;
	v15 =	vadd.s32 v49, v15  }
0x59: {  	v52 =	vnsel vm9, $0x0, v30;
	[tilespmem:$0x500] =	vst v13;
	v51 =	vadd.s32 v17, v14;
	v12 =	vadd.s32 v50, v15  }
0x5a: {  	[tilespmem:$0x580] =	vst v51;
	v12 =	vadd.s32 v52, v12  }
0x5b: {  	s25 =	rddreg [dreg:$0x9];
	[tilespmem:$0x600] =	vst v12  }
0x5c: {  	[hbm4b:s25+s2] =	stream.linear.scatter [tilespmem:s7], [sflag:$0x5], $0x200, $0x38;
	[tilespmem:$0x10780] =	vst v63  }
0x5d: {  	_ =	swait.ge [sflag:s6], $0x200  }
0x5e: {  	[sflag:s6] =	ssyncset.done $0x0  }
0x5f: {  	[sflag:s6] =	ssyncadd.s32 $0xFFFFFE00  }
0x60: {  	[tilespmem:s8], [sflag:$0x1] =	stream.linear.gather [hbm4b:s3+s2], $0x8000, $0x38;
	[tilespmem:$0x10780] =	vst v63  }
0x61: {  	s26 =	rddreg [dreg:$0xa]  }
0x62: {  	[tilespmem:s9], [sflag:$0x2] =	stream.linear.gather [hbm4b:s26+s2], $0x8000, $0x38;
	[tilespmem:$0x10780] =	vst v63  }
0x63: {  	_ =	swait.ge [sflag:s10], $0x8000  }
0x64: {  	[sflag:s10] =	ssyncset.done $0x0  }
0x65: {  	[sflag:s10] =	ssyncadd.s32 $0xFFFF8000  }
0x66: {  	[hbm4b:s4+s11] =	stream.indirect.scatter [tilespmem:s8], [sflag:$0x3], $0x800, s7, s11, $0xb8;
	[tilespmem:$0x10780] =	vst v63  }
0x67: {  	_ =	swait.ge [sflag:s12], $0x8000  }
0x68: {  	[sflag:s12] =	ssyncset.done $0x0  }
0x69: {  	s28 =	rddreg [dreg:$0xb];
	[sflag:s12] =	ssyncadd.s32 $0xFFFF8000  }
0x6a: {  	[tilespmem:s8], [sflag:$0x1] =	stream.linear.gather [hbm4b:s28+s2], $0x8000, $0x38;
	[tilespmem:$0x10780] =	vst v63  }
0x6b: {  	_ =	swait.ge [sflag:s13], $0x8000  }
0x6c: {  	[sflag:s13] =	ssyncset.done $0x0  }
0x6d: {  	s29 =	rddreg [dreg:$0x10];
	[sflag:s13] =	ssyncadd.s32 $0xFFFF8000  }
0x6e: {  	[hbm4b:s4+s11] =	stream.indirect.scatter [tilespmem:s9], [sflag:$0x4], $0x800, s29, s11, $0xb8;
	[tilespmem:$0x10780] =	vst v63  }
0x6f: {  	s16 =	sadd.s32 s16, s24;
	_ =	swait.ge [sflag:s14], $0x8000  }
0x70: {  	v59 =	vmov s16;
	vm10 =	vlt.s32 v6, v1;
	[sflag:s14] =	ssyncset.done $0x0  }
0x71: {  	vm11 =	vlt.s32 v7, v1;
	vm12 =	vlt.s32 v8, v1;
	vm13 =	vlt.s32 v5, v1;
	s30 =	rddreg [dreg:$0xc];
	[sflag:s14] =	ssyncadd.s32 $0xFFFF8000  }
0x72: {  	vm14 =	vlt.s32 v26, v1;
	vm15 =	vlt.s32 v27, v1;
	vm4 =	vlt.s32 v30, v1;
	[tilespmem:s9], [sflag:$0x2] =	stream.linear.gather [hbm4b:s30+s2], $0x8000, $0x38;
	[tilespmem:$0x10780] =	vst v63  }
0x73: {  	vm5 =	vlt.s32 v59, v1;
	vm6 =	vlt.s32 v6, v3;
	vm7 =	vlt.s32 v7, v3;
	_ =	swait.ge [sflag:s10], $0x8000  }
0x74: {  	v53 =	vsel vm10, $0x1, v2;
	v54 =	vsel vm11, $0x1, v2;
	v55 =	vsel vm12, $0x1, v2;
	[sflag:s10] =	ssyncset.done $0x0  }
0x75: {  	v56 =	vsel vm13, $0x1, v2;
	v57 =	vsel vm14, $0x1, v2;
	v58 =	vsel vm15, $0x1, v2;
	s31 =	rddreg [dreg:$0x11];
	[sflag:s10] =	ssyncadd.s32 $0xFFFF8000  }
0x76: {  	v60 =	vsel vm4, $0x1, v2;
	v61 =	vsel vm5, $0x1, v2;
	v62 =	vsel vm6, $0x1, v2;
	[hbm4b:s4+s11] =	stream.indirect.scatter [tilespmem:s8], [sflag:$0x3], $0x800, s31, s11, $0xb8;
	[tilespmem:$0x10780] =	vst v63  }
0x77: {  	v7 =	vsel vm7, $0x1, v2;
	vm8 =	vlt.s32 v8, v3;
	vm9 =	vlt.s32 v5, v3;
	_ =	swait.ge [sflag:s13], $0x8000  }
0x78: {  	vm10 =	vlt.s32 v26, v3;
	vm11 =	vlt.s32 v27, v3;
	vm12 =	vlt.s32 v30, v3;
	[sflag:s13] =	ssyncset.done $0x0  }
0x79: {  	vm13 =	vlt.s32 v59, v3;
	vm14 =	vgt.s32 v59, v0;
	v12 =	vadd.s32 v53, v54;
	[sflag:s13] =	ssyncadd.s32 $0xFFFF8000  }
0x7a: {  	v7 =	vadd.s32 v62, v7;
	v8 =	vsel vm8, $0x1, v2;
	v12 =	vadd.s32 v55, v12;
	[hbm4b:s4+s11] =	stream.indirect.scatter [tilespmem:s9], [sflag:$0x4], $0x800, s15, s11, $0xb8;
	[tilespmem:$0x10780] =	vst v63  }
0x7b: {  	v5 =	vadd.s32 v8, v7;
	v7 =	vsel vm9, $0x1, v2;
	v12 =	vadd.s32 v56, v12;
	_ =	swait.ge [sflag:s12], $0x8000  }
0x7c: {  	v5 =	vadd.s32 v7, v5;
	v7 =	vsel vm10, $0x1, v2;
	v12 =	vadd.s32 v57, v12;
	[sflag:s12] =	ssyncset.done $0x0  }
0x7d: {  	v5 =	vadd.s32 v7, v5;
	v7 =	vsel vm11, $0x1, v2;
	v12 =	vadd.s32 v58, v12;
	[sflag:s12] =	ssyncadd.s32 $0xFFFF8000  }
0x7e: {  	v5 =	vadd.s32 v7, v5;
	v7 =	vsel vm12, $0x1, v2;
	v6 =	vadd.s32 v60, v12;
	_ =	swait.ge [sflag:s14], $0x8000  }
0x7f: {  	v63 =	vsel vm13, $0x1, v2;
	v5 =	vadd.s32 v7, v5;
	v6 =	vadd.s32 v61, v6;
	[sflag:s14] =	ssyncset.done $0x0  }
0x80: {  	vm15 =	vgt.s32 v59, v4;
	v5 =	vadd.s32 v63, v5;
	v6 =	vnsel vm14, $0xFFFFFFFF, v6;
	[sflag:s14] =	ssyncadd.s32 $0xFFFF8000  }
0x81: {  	v5 =	vnsel vm15, $0xFFFFFFFF, v5;
	[tilespmem:$0x680] =	vst v6  }
0x82: {  	s18 =	simm.s32 @!p0 $0x680;
	s17 =	simm.s32 @!p0 $0x0;
	s16 =	rddreg [dreg:$0x6];
	[tilespmem:$0x700] =	vst v5  }
0x83: {  	[hbm4b:s16+s17] =	stream.linear.scatter @!p0 [tilespmem:s18], [sflag:$0x5], $0x10, $0x38;
	[tilespmem:$0x10780] =	vst v63  }
0x84: {  	s16 =	simm.s32 @!p0 $0x5  }
0x85: {  	s5 =	sadd.s32 $0xFFFFFFFF, s5;
	_ =	swait.ge @!p0 [sflag:s16], $0x10  }
0x86: {  	p1 =	sne.s32 s5, $0x0;
	s19 =	simm.s32 @!p0 $0x700;
	[sflag:s16] =	ssyncset.done @!p0 $0x0  }
.Ltmp0:
0x87: {  	s18 =	rddreg [dreg:$0xd];
	[sflag:s16] =	ssyncadd.s32 @!p0 $0xFFFFFFF0;
	(pc) =	sbr.rel @p1 .LBB2_1-.Ltmp0, $4  }
0x88: {  	[hbm4b:s18+s17] =	stream.linear.scatter @!p0 [tilespmem:s19], [sflag:$0x5], $0x10, $0x38;
	[tilespmem:$0x10780] =	vst v63  }
0x89: {  	_ =	swait.ge @!p0 [sflag:s16], $0x10  }
0x8a: {  	[sflag:s16] =	ssyncset.done @!p0 $0x0  }
0x8b: {  	[sflag:s16] =	ssyncadd.s32 @!p0 $0xFFFFFFF0  }
0x8c: {  	_ =	sfence.sel $0x180000  }
0x8d: {  	[bflag:$0x0] =	sbarrier.arrive $0xFFFF  }
0x8e: {  	p0 =	sne.s32 s1, $0x0;
	_ =	strace $0x90000047  }
0x8f: {  	s0 =	sadd.s32 @!p0 $0x100000, s0;
	[bflag:$0x2] =	sbarrier.arrive $0xFFFF  }
0x90: {  	[sflag:s0] =	ssyncadd.tile.s32 @!p0 $0x1;
	_ =	shalt  }
.Lfunc_end2:
_tile_overlayer_lowered:
.L_overlay_start_2:
0x91: {  	(tag) =	ssettag $0x2  }
0x92: {  	s0 =	rddreg [dreg:$0x0];
	s2 =	stileid.u32  }
0x93: {  	s1 =	rddreg [dreg:$0x1];
	p0 =	sne.s32 s2, $0x0  }
0x94: {  	s3 =	rddreg [dreg:$0x2];
	[bflag:$0x3] =	sbarrier.arrive $0xFFFF;
	s2 =	simm.s32 @!p0 $0x1C05  }
0x95: {  	[timem:s3], [sflag:s2] =	dma.local @!p0 [hbm:s0], s1  }
0x96: {  	s0 =	simm.s32 @!p0 $0x5  }
0x97: {  	_ =	swait.ge @!p0 [sflag:s0], s1  }
0x98: {  	s1 =	ssub.s32 @!p0 $0x0, s1;
	[sflag:s0] =	ssyncset.done @!p0 $0x0  }
0x99: {  	[sflag:s0] =	ssyncadd.s32 @!p0 s1  }
0x9a: {  	[bflag:$0x3] =	sbarrier.arrive $0xFFFF  }
0x9b: {  	_ =	shalt  }

// kernel: kernel.9.cloned.1.call-start
scs
__scs_entry_jumppad:
0x0: {  	(pc) =	sbr.rel $0x88, $3  }
0x1: {  	(tag) =	ssettag $0x0;
	lr =	simm.s32 $0x1  }
0x2: {  	[smem:$0x3F9D] =	sst lr;
	_ =	strace $0xD0000000  }
0x3: {  	_ = 	snop  }
0x4: {  	_ = 	snop  }
0x5: {  	_ = 	snop  }
0x6: {  	_ = 	snop  }
0x7: {  	_ = 	snop  }
__scs_overlays_trampoline_lowered:
0x8: {  	[smem:$0x3FAC] =	sst s0  }
0x9: {  	[smem:$0x3FAD] =	sst s1  }
0xa: {  	[smem:$0x3FAE] =	sst s2  }
0xb: {  	[smem:$0x3FAF] =	sst s3  }
0xc: {  	[smem:$0x3FB0] =	sst s4  }
0xd: {  	[smem:$0x3FB1] =	sst s5  }
0xe: {  	[smem:$0x3FB2] =	sst s6  }
0xf: {  	[smem:$0x3FB3] =	sst s7  }
0x10: {  	[smem:$0x3FB4] =	sst s8  }
0x11: {  	[smem:$0x3FB5] =	sst s9;
	s0 =	simm.s32 @!p0 $0x0  }
0x12: {  	s1 =	sld [smem:$0x3F9B];
	s0 =	simm.s32 @p0 $0x1  }
0x13: {  	[smem:$0x3FB6] =	sst s0;
	s0 =	simm.s32 @!p1 $0x0  }
0x14: {  	s2 =	sld [smem:$0x3F9A];
	s0 =	simm.s32 @p1 $0x1  }
0x15: {  	[smem:$0x3FB7] =	sst s0;
	s0 =	simm.s32 @!p2 $0x0  }
0x16: {  	s3 =	sld [smem:$0x3FDB];
	s0 =	simm.s32 @p2 $0x1  }
0x17: {  	s4 =	simm.s32 $0x1BF5;
	[smem:$0x3FB9] =	sst s0  }
0x18: {  	s0 =	sld [smem:$0x3F9C];
	_ =	swait.ge [sflag:s4], $0x0  }
0x19: {  	s7 =	sld [smem:$0x3F9D]  }
0x1a: {  	s8 =	sadd.s32 $0xFFFFE003, lr  }
0x1b: {  	s9 =	sadd.s32 $0xFFFFFEF7, lr;
	s5 =	simm.s32 $0xFFFFFFFF;
	p2 =	slt.u32 s8, $0xFFFFF086  }
0x1c: {  	p1 =	slt.u32 s9, $0xF7A;
	s5 =	simm.s32 @!p2 $0x0  }
0x1d: {  	s5 =	simm.s32 @p1 $0x1;
	p0 =	seq.s32 s7, s2  }
0x1e: {  	s7 =	smul.u32 @!p0 $0xF7A, s2;
	p2 =	seq.s32 @!p0 s5, $0x0  }
0x1f: {  	s9 =	smul.u32 $0xF7A, s1;
	s8 =	simm.s32 @!p0 $0x1BF5;
	p2 =	por !p2, p0  }
0x20: {  	[sflag:s8] =	ssyncset.s32 @!p0 $0xFFFFF086;
	s6 =	sadd.s32 @!p0 s3, s7;
	s7 =	simm.s32 @!p0 $0x108  }
0x21: {  	s3 =	sadd.s32 s3, s9;
	s6 =	sadd.s32 @!p0 $0x88, s6;
	s7 =	simm.s32 @p2 $0x1082  }
0x22: {  	[simem:s7], [sflag:s8] =	dma.local @!p0 [hbm:s6], $0xF7A  }
0x23: {  	s9 =	sor.u32 $0xD0000000, s2;
	s6 =	simm.s32 $0x108;
	_ =	swait.ge @!p0 [sflag:s8], $0x0  }
0x24: {  	s3 =	sadd.s32 $0x88, s3;
	s6 =	simm.s32 @!p1 $0x1082;
	[sflag:s4] =	ssyncset.s32 $0xFFFFF086  }
0x25: {  	[simem:s6], [sflag:s4] =	dma.local [hbm:s3], $0xF7A  }
0x26: {  	[smem:$0x3F9D] =	sst s1;
	(tag) =	ssettag s2;
	_ =	strace s9  }
0x27: {  	s1 =	sld [smem:$0x3FAD]  }
0x28: {  	s2 =	sld [smem:$0x3FAE]  }
0x29: {  	s4 =	sld [smem:$0x3FB0]  }
0x2a: {  	p0 =	seq.s32 s5, $0x0;
	s5 =	sld [smem:$0x3FB1]  }
0x2b: {  	s6 =	sld [smem:$0x3FB2]  }
0x2c: {  	s7 =	sld [smem:$0x3FB3]  }
0x2d: {  	s3 =	simm.s32 $0x108;
	s8 =	sld [smem:$0x3FB4]  }
0x2e: {  	s3 =	simm.s32 @!p0 $0x1082;
	s9 =	sld [smem:$0x3FB5]  }
0x2f: {  	lr =	sadd.s32 s0, s3;
	s0 =	sld [smem:$0x3FAC]  }
0x30: {  	s3 =	sld [smem:$0x3FAF]  }
0x31: {  	[smem:$0x3FB8] =	sst s10  }
0x32: {  	s10 =	sld [smem:$0x3FB6];
	_ =	sdelay $0x3  }
0x33: {  	p0 =	seq.s32 s10, $0x1;
	s10 =	sld [smem:$0x3FB8];
	_ =	sdelay $0x3  }
0x34: {  	[smem:$0x3FB8] =	sst s10  }
0x35: {  	s10 =	sld [smem:$0x3FB7];
	_ =	sdelay $0x3  }
0x36: {  	p1 =	seq.s32 s10, $0x1;
	s10 =	sld [smem:$0x3FB8];
	_ =	sdelay $0x3  }
0x37: {  	[smem:$0x3FB8] =	sst s10  }
0x38: {  	s10 =	sld [smem:$0x3FB9]  }
0x39: {  	_ = 	snop;
	(pc) =	sbr.ind lr, $3  }
0x3a: {  	_ = 	snop  }
0x3b: {  	_ = 	snop  }
0x3c: {  	p2 =	seq.s32 s10, $0x1;
	s10 =	sld [smem:$0x3FB8]  }
0x3d: {  	_ =	shalt  }
0x3e: {  	_ =	shalt  }
0x3f: {  	_ =	shalt  }
0x40: {  	_ =	shalt  }
0x41: {  	_ =	shalt  }
0x42: {  	_ =	shalt  }
0x43: {  	_ =	shalt  }
0x44: {  	_ =	shalt  }
0x45: {  	_ =	shalt  }
0x46: {  	_ =	shalt  }
0x47: {  	_ =	shalt  }
0x48: {  	_ =	shalt  }
0x49: {  	_ =	shalt  }
0x4a: {  	_ =	shalt  }
0x4b: {  	_ =	shalt  }
0x4c: {  	_ =	shalt  }
0x4d: {  	_ =	shalt  }
0x4e: {  	_ =	shalt  }
0x4f: {  	_ =	shalt  }
0x50: {  	_ =	shalt  }
0x51: {  	_ =	shalt  }
0x52: {  	_ =	shalt  }
0x53: {  	_ =	shalt  }
0x54: {  	_ =	shalt  }
0x55: {  	_ =	shalt  }
0x56: {  	_ =	shalt  }
0x57: {  	_ =	shalt  }
0x58: {  	_ =	shalt  }
0x59: {  	_ =	shalt  }
0x5a: {  	_ =	shalt  }
0x5b: {  	_ =	shalt  }
0x5c: {  	_ =	shalt  }
0x5d: {  	_ =	shalt  }
0x5e: {  	_ =	shalt  }
0x5f: {  	_ =	shalt  }
0x60: {  	_ =	shalt  }
0x61: {  	_ =	shalt  }
0x62: {  	_ =	shalt  }
0x63: {  	_ =	shalt  }
0x64: {  	_ =	shalt  }
0x65: {  	_ =	shalt  }
0x66: {  	_ =	shalt  }
0x67: {  	_ =	shalt  }
0x68: {  	_ =	shalt  }
0x69: {  	_ =	shalt  }
0x6a: {  	_ =	shalt  }
0x6b: {  	_ =	shalt  }
0x6c: {  	_ =	shalt  }
0x6d: {  	_ =	shalt  }
0x6e: {  	_ =	shalt  }
0x6f: {  	_ =	shalt  }
0x70: {  	_ =	shalt  }
0x71: {  	_ =	shalt  }
0x72: {  	_ =	shalt  }
0x73: {  	_ =	shalt  }
0x74: {  	_ =	shalt  }
0x75: {  	_ =	shalt  }
0x76: {  	_ =	shalt  }
0x77: {  	_ =	shalt  }
0x78: {  	_ =	shalt  }
0x79: {  	_ =	shalt  }
0x7a: {  	_ =	shalt  }
0x7b: {  	_ =	shalt  }
0x7c: {  	_ =	shalt  }
0x7d: {  	_ =	shalt  }
0x7e: {  	_ =	shalt  }
0x7f: {  	_ =	shalt  }
0x80: {  	_ =	shalt  }
0x81: {  	_ =	shalt  }
0x82: {  	_ =	shalt  }
0x83: {  	_ =	shalt  }
0x84: {  	_ =	shalt  }
0x85: {  	_ =	shalt  }
0x86: {  	_ =	shalt  }
0x87: {  	_ =	shalt  }
.Lfunc_end0:
.L_simem_size_0:
called_computation.1_lowered:
.L_overlay_start_0:
0x88: {  	s2 =	sld [smem:$0x3FD9]  }
0x89: {  	s3 =	sld [smem:$0x3FFE];
	_ =	sdelay $0x1  }
0x8a: {  	s1 =	srdreg.scid  }
0x8b: {  	s0 =	sand.u32 $0x1, s1  }
0x8c: {  	s14 =	sshll.u32 s0, $0xA;
	s2 =	sadd.s32 s3, s2  }
0x8d: {  	s2 =	sadd.s32 s2, s14  }
0x8e: {  	[smem:$0x3FC4] =	sst s2  }
0x8f: {  	_ = 	snop  }
0x90: {  	s2 =	sld [smem:$0x3FD0];
	_ =	sdelay $0x2  }
0x91: {  	s15 =	simm.s32 $0xA;
	s4 =	simm.s32 $0x10  }
0x92: {  	[smem:s4], [sflag:s15] =	dma.local [hbm:s2], $0x1  }
0x93: {  	_ =	swait.eq [sflag:s15], $0x1  }
0x94: {  	[sflag:s15] =	ssyncset.done $0x0  }
0x95: {  	[sflag:s15] =	ssyncadd.s32 $0xFFFFFFFF  }
0x96: {  	s16 =	sld [smem:$0x10];
	(tm) =	ssettm $0x1  }
0x97: {  	s17 =	sld [smem:$0x3FFB];
	_ =	sdelay $0x3  }
0x98: {  	_ =	strace s17  }
0x99: {  	s3 =	sld [smem:$0x3FFC];
	_ =	sdelay $0x3  }
0x9a: {  	_ =	strace s3  }
0x9b: {  	s3 =	sld [smem:$0x3FFD];
	_ =	sdelay $0x3  }
0x9c: {  	_ =	strace s3  }
0x9d: {  	_ =	strace $0x8FFFFFFF  }
0x9e: {  	s18 =	sld [smem:$0x3FDB];
	_ =	sdelay $0x1  }
0x9f: {  	s19 =	simm.s32 $_scs_section_size  }
0xa0: {  	s5 =	simm.s32 $_size__tile_overlayer_lowered;
	s6 =	simm.s32 $_tile_overlayer_lowered  }
0xa1: {  	s22 =	simm.s32 $0x1BFF;
	s21 =	sshll.u32 s6, $0x1;
	s3 =	sadd.s32 s19, s18  }
0xa2: {  	s7 =	simm.s32 $0x0;
	s20 =	sshll.u32 s5, $0x1;
	s5 =	sadd.s32 s21, s3  }
0xa3: {  	[timem:s7], [sflag:s22] =	dma.local [hbm:s5], s20  }
0xa4: {  	_ =	swait.ge [sflag:s22], s20  }
0xa5: {  	s4 =	ssub.s32 $0x0, s20;
	[sflag:s22] =	ssyncset.done $0x0  }
0xa6: {  	[sflag:s22] =	ssyncadd.s32 s4;
	_ =	sdelay $0x1  }
0xa7: {  	s23 =	simm.s32 $0x1B8B  }
0xa8: {  	_ =	swait.ge [sflag:s23], $0x1  }
0xa9: {  	[sflag:s23] =	ssyncset.done $0x0  }
0xaa: {  	s25 =	simm.s32 $0x1B8E;
	s24 =	sld [smem:$0x3FFE];
	[sflag:s23] =	ssyncadd.s32 $0xFFFFFFFF  }
0xab: {  	s26 =	simm.s32 $execute0_lowered;
	[smem:$0x3FD2] =	sst s25  }
0xac: {  	s5 =	sshll.u32 s26, $0x1;
	_ =	strace $0x80000049;
	[dreg:$0x1] =	wrdreg $0xFFFFFFFF  }
0xad: {  	s28 =	simm.s32 $_size_execute0_lowered;
	s3 =	sadd.s32 s3, s5;
	[dreg:$0x0] =	wrdreg $0x0  }
0xae: {  	s5 =	sshll.u32 s28, $0x1;
	[dreg:$0x2] =	wrdreg s3  }
0xaf: {  	[dreg:$0x3] =	wrdreg s5  }
0xb0: {  	[dreg:$0x4] =	wrdreg $0xC0  }
0xb1: {  	_ =	task [dreg:s7], $0x5FFFF  }
0xb2: {  	[dreg:$0x1] =	wrdreg $0xFFFFFFFF  }
0xb3: {  	[dreg:$0x0] =	wrdreg $0x60  }
0xb4: {  	[dreg:$0x2] =	wrdreg s24  }
0xb5: {  	[dreg:$0x3] =	wrdreg s16  }
0xb6: {  	[dreg:$0x4] =	wrdreg $0x9  }
0xb7: {  	_ =	task.clear_ibuf [dreg:s7], $0x5FFFF;
	_ =	strace $0x90000049  }
0xb8: {  	s29 =	simm.s32 $0x9;
	_ =	strace $0x8000004B  }
0xb9: {  	_ =	swait.ge [sflag:s29], $0x1  }
0xba: {  	[sflag:s29] =	ssyncadd.s32 $0xFFFFFFFF  }
0xbb: {  	_ =	strace $0x9000004B  }
0xbc: {  	_ =	sfence  }
0xbd: {  	s30 =	sld [smem:$0x0];
	_ =	sdelay $0x2  }
0xbe: {  	s31 =	sshll.u32 s1, $0xD;
	s1 =	sshrl.u32 s1, $0x2  }
0xbf: {  	s3 =	sand.u32 $0x4000, s31;
	s1 =	sadd.s32 s1, s30  }
0xc0: {  	s0 =	sor.u32 s3, s0;
	s1 =	sshll.u32 s1, $0x11  }
0xc1: {  	s0 =	sor.u32 s1, s0  }
0xc2: {  	s0 =	sadd.s32 $0x8F2B, s0  }
0xc3: {  	[sflag:s0] =	ssyncadd.remote.s32 $0x1  }
0xc4: {  	_ =	sfence.sel $0xFFFF  }
0xc5: {  	[dreg:$0x0] =	wrdreg $0xFFFFFFFF;
	(pc) =	sbr.abs _section_cstart, $3  }
0xc6: {  	[dreg:$0x1] =	wrdreg $0xFFFFFFFF  }
0xc7: {  	_ =	task.clear_ibuf [dreg:s7], $0x2FFFF;
	_ =	strace $0x9FFFFFFF  }
0xc8: {  	(tm) =	ssettm $0x7FFFFFFF  }
0xc9: {  	_ =	shalt  }
tec
execute0_lowered:
.L_overlay_start_1:
0x0: {  	(tag) =	ssettag $0x1  }
0x1: {  	s1 =	srdreg.scid  }
0x2: {  	s10 =	rddreg [dreg:$0x0];
	s0 =	stileid.u32;
	s24 =	sand.u32 $0x1, s1  }
0x3: {  	s4 =	rddreg [dreg:$0x1];
	s3 =	sshll.u32 s0, $0x7;
	s5 =	sshll.u32 s24, $0x6  }
0x4: {  	s2 =	simm.s32 $0x0;
	s1 =	rddreg [dreg:$0x2];
	s3 =	sor.u32 s5, s3  }
0x5: {  	[smem:$0x7FF] =	sst s2;
	s23 =	sadd.s32 s3, s10  }
0x6: {  	_ =	strace $0x8000004A;
	s3 =	simm.s32 $0x3;
	s5 =	sadd.s32 $0xF2C00, s23  }
0x7: {  	[tilespmem:s2], [sflag:$0x3] =	stream.linear.gather [hbm4b:s5+s2], $0x200, $0x38;
	[tilespmem:$0xC00] =	vst v63  }
0x8: {  	_ =	swait.ge [sflag:s3], $0x200  }
0x9: {  	[sflag:s3] =	ssyncset.done $0x0  }
0xa: {  	s7 =	simm.s32 $0x200;
	s6 =	sadd.s32 $0x2200, s23;
	[sflag:s3] =	ssyncadd.s32 $0xFFFFFE00  }
0xb: {  	[tilespmem:s7], [sflag:$0x3] =	stream.linear.gather [hbm4b:s6+s2], $0x200, $0x38;
	[tilespmem:$0xC00] =	vst v63  }
0xc: {  	_ =	swait.ge [sflag:s3], $0x200  }
0xd: {  	[sflag:s3] =	ssyncset.done $0x0  }
0xe: {  	s8 =	simm.s32 $0x10;
	s9 =	simm.s32 $0x400;
	[sflag:s3] =	ssyncadd.s32 $0xFFFFFE00  }
0xf: {  	[tilespmem:s9], [sflag:$0x1] =	stream.indirect.gather [hbm4b:s4+s8], $0x1, s2, s8, $0xb8;
	[tilespmem:$0xC00] =	vst v63  }
0x10: {  	s11 =	simm.s32 $0x600;
	s10 =	sadd.s32 $0x1A00, s10  }
0x11: {  	[tilespmem:s11], [sflag:$0x2] =	stream.indirect.gather [hbm4b:s10+s8], $0x1, s2, s8, $0xb8;
	[tilespmem:$0xC00] =	vst v63  }
0x12: {  	s12 =	simm.s32 $0x80;
	s13 =	simm.s32 $0x480  }
0x13: {  	[tilespmem:s13], [sflag:$0x1] =	stream.indirect.gather [hbm4b:s4+s8], $0x1, s12, s8, $0xb8;
	[tilespmem:$0xC00] =	vst v63  }
0x14: {  	s14 =	simm.s32 $0x680  }
0x15: {  	[tilespmem:s14], [sflag:$0x2] =	stream.indirect.gather [hbm4b:s10+s8], $0x1, s12, s8, $0xb8;
	[tilespmem:$0xC00] =	vst v63  }
0x16: {  	s15 =	simm.s32 $0x100;
	s16 =	simm.s32 $0x500  }
0x17: {  	[tilespmem:s16], [sflag:$0x1] =	stream.indirect.gather [hbm4b:s4+s8], $0x1, s15, s8, $0xb8;
	[tilespmem:$0xC00] =	vst v63  }
0x18: {  	s17 =	simm.s32 $0x700  }
0x19: {  	[tilespmem:s17], [sflag:$0x2] =	stream.indirect.gather [hbm4b:s10+s8], $0x1, s15, s8, $0xb8;
	[tilespmem:$0xC00] =	vst v63  }
0x1a: {  	s18 =	simm.s32 $0x180;
	s19 =	simm.s32 $0x580  }
0x1b: {  	[tilespmem:s19], [sflag:$0x1] =	stream.indirect.gather [hbm4b:s4+s8], $0x1, s18, s8, $0xb8;
	[tilespmem:$0xC00] =	vst v63  }
0x1c: {  	s20 =	simm.s32 $0x780;
	s21 =	simm.s32 $0x1  }
0x1d: {  	[tilespmem:s20], [sflag:$0x2] =	stream.indirect.gather [hbm4b:s10+s8], $0x1, s18, s8, $0xb8;
	[tilespmem:$0xC00] =	vst v63  }
0x1e: {  	_ =	swait.ge [sflag:s21], $0x10  }
0x1f: {  	[sflag:s21] =	ssyncset.done $0x0  }
0x20: {  	s22 =	simm.s32 $0x2;
	[sflag:s21] =	ssyncadd.s32 $0xFFFFFFF0  }
0x21: {  	_ =	swait.ge [sflag:s22], $0x10  }
0x22: {  	[sflag:s22] =	ssyncset.done $0x0  }
0x23: {  	[sflag:s22] =	ssyncadd.s32 $0xFFFFFFF0  }
0x24: {  	_ =	swait.ge [sflag:s21], $0x10  }
0x25: {  	[sflag:s21] =	ssyncset.done $0x0  }
0x26: {  	[sflag:s21] =	ssyncadd.s32 $0xFFFFFFF0  }
0x27: {  	_ =	swait.ge [sflag:s22], $0x10  }
0x28: {  	[sflag:s22] =	ssyncset.done $0x0  }
0x29: {  	[sflag:s22] =	ssyncadd.s32 $0xFFFFFFF0  }
0x2a: {  	_ =	swait.ge [sflag:s21], $0x10  }
0x2b: {  	[sflag:s21] =	ssyncset.done $0x0  }
0x2c: {  	[sflag:s21] =	ssyncadd.s32 $0xFFFFFFF0  }
0x2d: {  	_ =	swait.ge [sflag:s22], $0x10  }
0x2e: {  	[sflag:s22] =	ssyncset.done $0x0  }
0x2f: {  	[sflag:s22] =	ssyncadd.s32 $0xFFFFFFF0  }
0x30: {  	_ =	swait.ge [sflag:s21], $0x10  }
0x31: {  	[sflag:s21] =	ssyncset.done $0x0  }
0x32: {  	[sflag:s21] =	ssyncadd.s32 $0xFFFFFFF0  }
0x33: {  	_ =	swait.ge [sflag:s22], $0x10  }
0x34: {  	[sflag:s22] =	ssyncset.done $0x0  }
0x35: {  	[sflag:s22] =	ssyncadd.s32 $0xFFFFFFF0  }
0x36: {  	v0 =	vld [tilespmem:$0x380]  }
0x37: {  	v1 =	vld [tilespmem:$0x400]  }
0x38: {  	v2 =	vld [tilespmem:$0x680]  }
0x39: {  	v3 =	vld [tilespmem:$0x480]  }
0x3a: {  	v4 =	vld [tilespmem:$0x280]  }
0x3b: {  	v5 =	vld [tilespmem:$0x580]  }
0x3c: {  	v6 =	vld [tilespmem:$0x780]  }
0x3d: {  	v7 =	vld [tilespmem:$0x200]  }
0x3e: {  	v8 =	vld [tilespmem:$0x600]  }
0x3f: {  	v57 =	vld [tilespmem:$0x300]  }
0x40: {  	v9 =	vld [tilespmem:$0x500]  }
0x41: {  	v11 =	vld [tilespmem:$0x700]  }
0x42: {  	v3 =	vmul.f32 v3, v4;
	v2 =	vmul.f32 v2, v4  }
0x43: {  	v5 =	vmul.f32 v5, v0;
	v0 =	vmul.f32 v6, v0  }
0x44: {  	v1 =	vmul.f32 v1, v7;
	v10 =	vmax.f32 v3, v2  }
0x45: {  	s24 =	ssub.s32 $0x2, s24;
	v58 =	vmul.f32 v8, v7;
	v59 =	vmax.f32 v5, v0;
	v3 =	vsub.f32 v3, v10  }
0x46: {  	s25 =	sshrl.u32 s24, $0x1;
	v61 =	vmul.f32 v9, v57;
	v4 =	vmul.f32 v11, v57;
	v5 =	vsub.f32 v5, v59  }
0x47: {  	s24 =	ssub.s32 s24, s25;
	v60 =	vmax.f32 v1, v58;
	v0 =	vsub.f32 v0, v59;
	v3 =	vmul.f32 $1.442695020e+00, v3  }
0x48: {  	s25 =	smax.u32 s24, $0x1;
	v2 =	vsub.f32 v2, v10;
	v1 =	vsub.f32 v1, v60;
	v5 =	vmul.f32 $1.442695020e+00, v5  }
0x49: {  	p0 =	sne.s32 s25, $0x1;
	v6 =	vsub.f32 v58, v60;
	v0 =	vmul.f32 $1.442695020e+00, v0;
	(erf) = vpow2.f32 v3  }
.Ltmp0:
0x4a: {  	v1 =	vmul.f32 $1.442695020e+00, v1;
	v3 =	vmax.f32 v61, v4;
	(erf) = vpow2.f32 v5;
	(pc) =	sbr.rel @!p0 .LBB2_2-.Ltmp0, $4  }
0x4b: {  	v2 =	vmul.f32 $1.442695020e+00, v2;
	v62 =	vsub.f32 v61, v3;
	(erf) = vpow2.f32 v0  }
0x4c: {  	v63 =	vmul.f32 $1.442695020e+00, v6;
	v3 =	vsub.f32 v4, v3;
	(erf) = vpow2.f32 v1  }
0x4d: {  	s26 =	simm.s32 $0x800;
	s24 =	sadd.s32 $0x2A00, s23;
	v0 =	vmul.f32 $1.442695020e+00, v62;
	(erf) = vpow2.f32 v2  }
0x4e: {  	s23 =	sadd.s32 $0x3200, s23;
	s28 =	sadd.s32 $0xFFFFFFFF, s25;
	s25 =	simm.s32 $0xA00;
	v1 =	vmul.f32 $1.442695020e+00, v3;
	(erf) = vpow2.f32 v63  }
.LBB2_1:
0x4f: {  	p0 =	sne.s32 s28, $0x1;
	s28 =	sadd.s32 $0xFFFFFFFF, s28;
	(erf) = vpow2.f32 v0  }
0x50: {  	(erf) = vpow2.f32 v1;
	_ =	sdelay $0x1  }
0x51: {  	v0 =	vpop (erf)  }
0x52: {  	v1 =	vpop (erf)  }
0x53: {  	v2 =	vpop (erf)  }
0x54: {  	v3 =	vadd.f32 v2, v1;
	v4 =	vpop (erf)  }
0x55: {  	v5 =	vpop (erf)  }
0x56: {  	v9 =	vadd.f32 v5, v0;
	v7 =	vpop (erf);
	(erf) = vrcp.f32 v3  }
0x57: {  	v3 =	vadd.f32 v7, v4;
	v8 =	vpop (erf)  }
0x58: {  	(erf) = vrcp.f32 v9;
	v6 =	vpop (erf)  }
0x59: {  	v9 =	vadd.f32 v6, v8;
	(erf) = vrcp.f32 v3;
	_ =	sdelay $0x1  }
0x5a: {  	(erf) = vrcp.f32 v9;
	_ =	sdelay $0x3  }
0x5b: {  	v3 =	vpop (erf)  }
0x5c: {  	v9 =	vmul.f32 v3, v1;
	v2 =	vmul.f32 v3, v2  }
0x5d: {  	v3 =	vpop (erf)  }
0x5e: {  	v10 =	vmul.f32 v3, v0;
	v3 =	vmul.f32 v3, v5;
	[tilespmem:$0x980] =	vst v9;
	v1 =	vpop (erf)  }
0x5f: {  	v4 =	vmul.f32 v1, v4;
	v1 =	vmul.f32 v1, v7;
	[tilespmem:$0xB80] =	vst v2  }
0x60: {  	[tilespmem:$0x880] =	vst v10;
	v0 =	vpop (erf)  }
0x61: {  	[tilespmem:$0x800] =	vst v4;
	v2 =	vmul.f32 v0, v8;
	v0 =	vmul.f32 v0, v6  }
0x62: {  	[tilespmem:$0xA00] =	vst v1  }
0x63: {  	[tilespmem:$0xB00] =	vst v0  }
0x64: {  	[tilespmem:$0x900] =	vst v2  }
0x65: {  	[tilespmem:$0xA80] =	vst v3  }
0x66: {  	[hbm4b:s24+s2] =	stream.linear.scatter [tilespmem:s26], [sflag:$0x3], $0x200, $0x38;
	[tilespmem:$0xC00] =	vst v63  }
0x67: {  	_ =	swait.ge [sflag:s3], $0x200  }
0x68: {  	[sflag:s3] =	ssyncset.done $0x0  }
0x69: {  	[sflag:s3] =	ssyncadd.s32 $0xFFFFFE00  }
0x6a: {  	[hbm4b:s23+s2] =	stream.linear.scatter [tilespmem:s25], [sflag:$0x3], $0x200, $0x38;
	[tilespmem:$0xC00] =	vst v63  }
0x6b: {  	_ =	swait.ge [sflag:s3], $0x200  }
0x6c: {  	[sflag:s3] =	ssyncset.done $0x0  }
0x6d: {  	[sflag:s3] =	ssyncadd.s32 $0xFFFFFE00  }
0x6e: {  	[tilespmem:s2], [sflag:$0x3] =	stream.linear.gather [hbm4b:s5+s2], $0x200, $0x38;
	[tilespmem:$0xC00] =	vst v63  }
0x6f: {  	_ =	swait.ge [sflag:s3], $0x200  }
0x70: {  	[sflag:s3] =	ssyncset.done $0x0  }
0x71: {  	[sflag:s3] =	ssyncadd.s32 $0xFFFFFE00  }
0x72: {  	[tilespmem:s7], [sflag:$0x3] =	stream.linear.gather [hbm4b:s6+s2], $0x200, $0x38;
	[tilespmem:$0xC00] =	vst v63  }
0x73: {  	_ =	swait.ge [sflag:s3], $0x200  }
0x74: {  	[sflag:s3] =	ssyncset.done $0x0  }
0x75: {  	[sflag:s3] =	ssyncadd.s32 $0xFFFFFE00  }
0x76: {  	[tilespmem:s9], [sflag:$0x1] =	stream.indirect.gather [hbm4b:s4+s8], $0x1, s2, s8, $0xb8;
	[tilespmem:$0xC00] =	vst v63  }
0x77: {  	_ = 	snop  }
0x78: {  	[tilespmem:s11], [sflag:$0x2] =	stream.indirect.gather [hbm4b:s10+s8], $0x1, s2, s8, $0xb8;
	[tilespmem:$0xC00] =	vst v63  }
0x79: {  	_ = 	snop  }
0x7a: {  	[tilespmem:s13], [sflag:$0x1] =	stream.indirect.gather [hbm4b:s4+s8], $0x1, s12, s8, $0xb8;
	[tilespmem:$0xC00] =	vst v63  }
0x7b: {  	_ = 	snop  }
0x7c: {  	[tilespmem:s14], [sflag:$0x2] =	stream.indirect.gather [hbm4b:s10+s8], $0x1, s12, s8, $0xb8;
	[tilespmem:$0xC00] =	vst v63  }
0x7d: {  	_ = 	snop  }
0x7e: {  	[tilespmem:s16], [sflag:$0x1] =	stream.indirect.gather [hbm4b:s4+s8], $0x1, s15, s8, $0xb8;
	[tilespmem:$0xC00] =	vst v63  }
0x7f: {  	_ = 	snop  }
0x80: {  	[tilespmem:s17], [sflag:$0x2] =	stream.indirect.gather [hbm4b:s10+s8], $0x1, s15, s8, $0xb8;
	[tilespmem:$0xC00] =	vst v63  }
0x81: {  	_ = 	snop  }
0x82: {  	[tilespmem:s19], [sflag:$0x1] =	stream.indirect.gather [hbm4b:s4+s8], $0x1, s18, s8, $0xb8;
	[tilespmem:$0xC00] =	vst v63  }
0x83: {  	_ = 	snop  }
0x84: {  	[tilespmem:s20], [sflag:$0x2] =	stream.indirect.gather [hbm4b:s10+s8], $0x1, s18, s8, $0xb8;
	[tilespmem:$0xC00] =	vst v63  }
0x85: {  	_ =	swait.ge [sflag:s21], $0x10  }
0x86: {  	[sflag:s21] =	ssyncset.done $0x0  }
0x87: {  	[sflag:s21] =	ssyncadd.s32 $0xFFFFFFF0  }
0x88: {  	_ =	swait.ge [sflag:s22], $0x10  }
0x89: {  	[sflag:s22] =	ssyncset.done $0x0  }
0x8a: {  	[sflag:s22] =	ssyncadd.s32 $0xFFFFFFF0  }
0x8b: {  	_ =	swait.ge [sflag:s21], $0x10  }
0x8c: {  	[sflag:s21] =	ssyncset.done $0x0  }
0x8d: {  	[sflag:s21] =	ssyncadd.s32 $0xFFFFFFF0  }
0x8e: {  	_ =	swait.ge [sflag:s22], $0x10  }
0x8f: {  	[sflag:s22] =	ssyncset.done $0x0  }
0x90: {  	[sflag:s22] =	ssyncadd.s32 $0xFFFFFFF0  }
0x91: {  	_ =	swait.ge [sflag:s21], $0x10  }
0x92: {  	[sflag:s21] =	ssyncset.done $0x0  }
0x93: {  	[sflag:s21] =	ssyncadd.s32 $0xFFFFFFF0  }
0x94: {  	_ =	swait.ge [sflag:s22], $0x10  }
0x95: {  	[sflag:s22] =	ssyncset.done $0x0  }
0x96: {  	[sflag:s22] =	ssyncadd.s32 $0xFFFFFFF0  }
0x97: {  	_ =	swait.ge [sflag:s21], $0x10  }
0x98: {  	[sflag:s21] =	ssyncset.done $0x0  }
0x99: {  	[sflag:s21] =	ssyncadd.s32 $0xFFFFFFF0  }
0x9a: {  	_ =	swait.ge [sflag:s22], $0x10  }
0x9b: {  	[sflag:s22] =	ssyncset.done $0x0  }
0x9c: {  	[sflag:s22] =	ssyncadd.s32 $0xFFFFFFF0  }
0x9d: {  	v0 =	vld [tilespmem:$0x380]  }
0x9e: {  	v1 =	vld [tilespmem:$0x400]  }
0x9f: {  	v2 =	vld [tilespmem:$0x680]  }
0xa0: {  	v3 =	vld [tilespmem:$0x480]  }
0xa1: {  	v4 =	vld [tilespmem:$0x280]  }
0xa2: {  	v5 =	vld [tilespmem:$0x580]  }
0xa3: {  	v6 =	vld [tilespmem:$0x780]  }
0xa4: {  	v7 =	vld [tilespmem:$0x200]  }
0xa5: {  	v8 =	vld [tilespmem:$0x600]  }
0xa6: {  	v3 =	vmul.f32 v3, v4;
	v2 =	vmul.f32 v2, v4;
	v4 =	vld [tilespmem:$0x300]  }
0xa7: {  	v9 =	vld [tilespmem:$0x500];
	v5 =	vmul.f32 v5, v0  }
0xa8: {  	v10 =	vmax.f32 v3, v2;
	v11 =	vld [tilespmem:$0x700];
	v0 =	vmul.f32 v6, v0  }
0xa9: {  	v1 =	vmul.f32 v1, v7;
	v3 =	vsub.f32 v3, v10;
	v2 =	vsub.f32 v2, v10  }
0xaa: {  	v6 =	vmul.f32 v8, v7;
	v7 =	vmax.f32 v5, v0  }
0xab: {  	v3 =	vmul.f32 $1.442695020e+00, v3;
	v5 =	vsub.f32 v5, v7;
	v0 =	vsub.f32 v0, v7  }
0xac: {  	v2 =	vmul.f32 $1.442695020e+00, v2;
	v7 =	vmax.f32 v1, v6;
	v8 =	vmul.f32 v9, v4  }
0xad: {  	v1 =	vsub.f32 v1, v7;
	v4 =	vmul.f32 v11, v4;
	v5 =	vmul.f32 $1.442695020e+00, v5  }
0xae: {  	v6 =	vsub.f32 v6, v7;
	v0 =	vmul.f32 $1.442695020e+00, v0;
	(erf) = vpow2.f32 v3  }
.Ltmp1:
0xaf: {  	v1 =	vmul.f32 $1.442695020e+00, v1;
	v3 =	vmax.f32 v8, v4;
	(erf) = vpow2.f32 v5;
	(pc) =	sbr.rel @p0 .LBB2_1-.Ltmp1, $4  }
0xb0: {  	v5 =	vsub.f32 v8, v3;
	v3 =	vsub.f32 v4, v3;
	(erf) = vpow2.f32 v0  }
0xb1: {  	v4 =	vmul.f32 $1.442695020e+00, v6;
	(erf) = vpow2.f32 v1  }
0xb2: {  	v0 =	vmul.f32 $1.442695020e+00, v5;
	(erf) = vpow2.f32 v2  }
0xb3: {  	v1 =	vmul.f32 $1.442695020e+00, v3;
	(erf) = vpow2.f32 v4  }
.LBB2_2:
0xb4: {  	_ = 	snop  }
0xb5: {  	(erf) = vpow2.f32 v0  }
0xb6: {  	(erf) = vpow2.f32 v1  }
0xb7: {  	v54 =	vpop (erf)  }
0xb8: {  	v55 =	vpop (erf)  }
0xb9: {  	v2 =	vpop (erf)  }
0xba: {  	v3 =	vadd.f32 v2, v55;
	v4 =	vpop (erf)  }
0xbb: {  	v5 =	vpop (erf)  }
0xbc: {  	v6 =	vadd.f32 v5, v54;
	(erf) = vrcp.f32 v3  }
0xbd: {  	v7 =	vpop (erf)  }
0xbe: {  	v56 =	vadd.f32 v7, v4;
	v8 =	vpop (erf);
	(erf) = vrcp.f32 v6  }
0xbf: {  	v57 =	vpop (erf)  }
0xc0: {  	v9 =	vadd.f32 v57, v8;
	(erf) = vrcp.f32 v56;
	_ =	sdelay $0x1  }
0xc1: {  	(erf) = vrcp.f32 v9;
	_ =	sdelay $0x2  }
0xc2: {  	v58 =	vpop (erf)  }
0xc3: {  	v1 =	vmul.f32 v58, v55  }
0xc4: {  	v2 =	vmul.f32 v58, v2;
	v59 =	vpop (erf)  }
0xc5: {  	v0 =	vmul.f32 v59, v54;
	[tilespmem:$0x980] =	vst v1  }
0xc6: {  	v60 =	vpop (erf);
	[tilespmem:$0xB80] =	vst v2;
	v63 =	vmul.f32 v59, v5  }
0xc7: {  	v4 =	vmul.f32 v60, v4;
	[tilespmem:$0x880] =	vst v0  }
0xc8: {  	v1 =	vmul.f32 v60, v7;
	v61 =	vpop (erf);
	[tilespmem:$0xA80] =	vst v63  }
0xc9: {  	[tilespmem:$0x800] =	vst v4;
	v62 =	vmul.f32 v61, v57  }
0xca: {  	v0 =	vmul.f32 v61, v8;
	[tilespmem:$0xA00] =	vst v1  }
0xcb: {  	[tilespmem:$0xB00] =	vst v62  }
0xcc: {  	[tilespmem:$0x900] =	vst v0  }
0xcd: {  	[hbm4b:s24+s2] =	stream.linear.scatter [tilespmem:s26], [sflag:$0x3], $0x200, $0x38;
	[tilespmem:$0xC00] =	vst v63  }
0xce: {  	_ =	swait.ge [sflag:s3], $0x200  }
0xcf: {  	[sflag:s3] =	ssyncset.done $0x0  }
0xd0: {  	[sflag:s3] =	ssyncadd.s32 $0xFFFFFE00  }
0xd1: {  	[hbm4b:s23+s2] =	stream.linear.scatter [tilespmem:s25], [sflag:$0x3], $0x200, $0x38;
	[tilespmem:$0xC00] =	vst v63  }
0xd2: {  	_ =	swait.ge [sflag:s3], $0x200  }
0xd3: {  	[sflag:s3] =	ssyncset.done $0x0  }
0xd4: {  	[sflag:s3] =	ssyncadd.s32 $0xFFFFFE00  }
0xd5: {  	_ =	sfence.sel $0x180000  }
0xd6: {  	[bflag:$0x0] =	sbarrier.arrive $0xFFFF  }
0xd7: {  	p0 =	sne.s32 s0, $0x0;
	_ =	strace $0x9000004A  }
0xd8: {  	s0 =	sadd.s32 @!p0 $0x100000, s1;
	[bflag:$0x2] =	sbarrier.arrive $0xFFFF  }
0xd9: {  	[sflag:s0] =	ssyncadd.tile.s32 @!p0 $0x1;
	_ =	shalt  }
.Lfunc_end2:
_tile_overlayer_lowered:
.L_overlay_start_2:
0xda: {  	(tag) =	ssettag $0x2  }
0xdb: {  	s0 =	rddreg [dreg:$0x0];
	s2 =	stileid.u32  }
0xdc: {  	s1 =	rddreg [dreg:$0x1];
	p0 =	sne.s32 s2, $0x0  }
0xdd: {  	s3 =	rddreg [dreg:$0x2];
	[bflag:$0x3] =	sbarrier.arrive $0xFFFF;
	s2 =	simm.s32 @!p0 $0x1C03  }
0xde: {  	[timem:s3], [sflag:s2] =	dma.local @!p0 [hbm:s0], s1  }
0xdf: {  	s0 =	simm.s32 @!p0 $0x3  }
0xe0: {  	_ =	swait.ge @!p0 [sflag:s0], s1  }
0xe1: {  	s1 =	ssub.s32 @!p0 $0x0, s1;
	[sflag:s0] =	ssyncset.done @!p0 $0x0  }
0xe2: {  	[sflag:s0] =	ssyncadd.s32 @!p0 s1  }
0xe3: {  	[bflag:$0x3] =	sbarrier.arrive $0xFFFF  }
0xe4: {  	_ =	shalt  }

</sc_bundles>
